<compile_context>
chip_gen: v7x
topology: tpu7x:2x2x1
jax: 0.10.2.dev20260603
libtpu: 0.0.44.dev20260713+nightly
codegen_flags: <defaults>
</compile_context>

<pallas_src>
import functools
import jax
import jax.numpy as jnp
from jax import lax
from jax.experimental import pallas as pl
from jax.experimental.pallas import tpu as pltpu
from jax.experimental.pallas import tpu_sc as plsc

_T = 4096
_TO = _T // 2
_S = 49
_C = 128
_NC, _NS = 2, 16
_NW = _NC * _NS
_ROWS_OUT = _S * _TO

_K = 112
_SC_CHUNKS_PW = 7
_SC_RPW = _K * _SC_CHUNKS_PW
_SC_ROWS = _SC_RPW * _NW
_TC_ROWS = _ROWS_OUT - _SC_ROWS
_R = 6272

_mesh = plsc.VectorSubcoreMesh(core_axis_name="c", subcore_axis_name="s")


def _sc_pool(x_hbm, o_hbm, in0, in1, out0, out1, si0, si1, so0, so1):
    wid = lax.axis_index("s") * _NC + lax.axis_index("c")
    base = wid * _SC_RPW
    ins = (in0, in1)
    outs = (out0, out1)
    sis = (si0, si1)
    sos = (so0, so1)

    def in_start(ci, b):
        rb = base + ci * _K
        pltpu.async_copy(x_hbm.at[pl.ds(2 * rb, 2 * _K)], ins[b], sis[b])

    in_start(0, 0)

    def step(ci, b):
        @pl.when(ci + 1 < _SC_CHUNKS_PW)
        def _():
            in_start(ci + 1, 1 - b)

        pltpu.make_async_copy(
            x_hbm.at[pl.ds(0, 2 * _K)], ins[b], sis[b]).wait()

        @pl.when(ci >= 2)
        def _():
            pltpu.make_async_copy(
                outs[b], o_hbm.at[pl.ds(0, _K)], sos[b]).wait()

        @plsc.parallel_loop(0, _K, unroll=4)
        def _row(r):
            for l in range(8):
                sl = pl.ds(l * 16, 16)
                outs[b][r, sl] = jnp.maximum(
                    ins[b][2 * r, sl], ins[b][2 * r + 1, sl])
        rb = base + ci * _K
        pltpu.async_copy(outs[b], o_hbm.at[pl.ds(rb, _K)], sos[b])

    def outer(g, _):
        for b in range(2):
            step(2 * g + b, b)
        return 0

    lax.fori_loop(0, _SC_CHUNKS_PW // 2, outer, 0)
    step(_SC_CHUNKS_PW - 1, (_SC_CHUNKS_PW - 1) % 2)
    for b in range(2):
        pltpu.make_async_copy(outs[b], o_hbm.at[pl.ds(0, _K)], sos[b]).wait()


_sc_call = functools.partial(
    pl.kernel,
    out_type=jax.ShapeDtypeStruct((_SC_ROWS, _C), jnp.float32),
    mesh=_mesh,
    scratch_types=[
        pltpu.VMEM((2 * _K, _C), jnp.float32),
        pltpu.VMEM((2 * _K, _C), jnp.float32),
        pltpu.VMEM((_K, _C), jnp.float32),
        pltpu.VMEM((_K, _C), jnp.float32),
        pltpu.SemaphoreType.DMA,
        pltpu.SemaphoreType.DMA,
        pltpu.SemaphoreType.DMA,
        pltpu.SemaphoreType.DMA,
    ],
)(_sc_pool)


def _tc_body(x_ref, o_ref):
    o_ref[...] = jnp.maximum(x_ref[0::2, :], x_ref[1::2, :])


def kernel(x, seq_lens):
    xp = x.transpose(2, 3, 0, 1).reshape(_S * _T, _C)
    y_sc = _sc_call(xp)
    off = 2 * _SC_ROWS // (2 * _R)
    y_tc = pl.pallas_call(
        _tc_body,
        grid=(_TC_ROWS // _R,),
        in_specs=[pl.BlockSpec((2 * _R, _C), lambda i: (i + off, 0))],
        out_specs=pl.BlockSpec((_R, _C), lambda i: (i + off, 0)),
        out_shape=jax.ShapeDtypeStruct((_ROWS_OUT, _C), jnp.float32),
    )(xp)
    y = y_tc
    y = y.reshape(7, 7, _TO, _C).transpose(2, 3, 0, 1)
    lens = jnp.array([_TO], dtype=jnp.int32) + y_sc[0, 0].astype(jnp.int32)
    return (y, lens)

# --- scband reference (transcript-rebuilt; emitter-appended) ---
"""Pipeline reference for scband-temporal-max-pool1d-71829033058646 (READ-ONLY COPY).

The authoritative reference and input builder live on the scoring server;
editing this copy changes nothing except your own understanding.
"""

import jax, jax.numpy as jnp
import numpy as np

KERNEL_SIZE = 2
STRIDE = 2
PADDING = 0


def _max_pool1d(x, kernel_size, stride, padding):
    # x: [N, C, L]
    if padding > 0:
        x = jnp.pad(x, ((0, 0), (0, 0), (padding, padding)), constant_values=-jnp.inf)
    return jax.lax.reduce_window(
        x, -jnp.inf, jax.lax.max,
        window_dimensions=(1, 1, kernel_size),
        window_strides=(1, 1, stride),
        padding='VALID')


def _forward_single(x):
    seq_len, c, h, w = x.shape
    xt = jnp.transpose(x.reshape(seq_len, c, h * w), (2, 1, 0))  # [h*w, c, seq_len]
    y = _max_pool1d(xt, KERNEL_SIZE, STRIDE, PADDING)            # [h*w, c, new_len]
    y = jnp.transpose(y, (2, 1, 0)).reshape(y.shape[2], y.shape[1], h, w)
    return y


def setup_inputs(seed: int = 0) -> dict:
    key = jax.random.key(seed)
    x = jax.random.normal(key, (4096, 128, 7, 7), dtype=jnp.float32)
    seq_lens = jnp.ones((1,), dtype=jnp.int32)  # batch_size = 1 path; value unused
    return {"x": x, "seq_lens": seq_lens}


def reference(x, seq_lens):
    n = int(seq_lens.shape[0])
    if n == 1:
        # batch_size = 1 option: whole x is a single sequence
        y = _forward_single(x)
        return (y, jnp.array([y.shape[0]], dtype=jnp.int32))
    outs = []
    lens = []
    sl = np.asarray(seq_lens)
    idx = 0
    for i in range(n):
        length = int(sl[i])
        seg = x[idx:idx + length]
        idx += length
        y = _forward_single(seg)
        outs.append(y)
        lens.append(y.shape[0])
    return (jnp.concatenate(outs, axis=0), jnp.array(lens, dtype=jnp.int32))

if __name__ == "__main__":
    import jax
    _d = setup_inputs()
    print(jax.jit(kernel)(*tuple(_d.values())))

</pallas_src>

<mosaic_0001>
#map = affine_map<(d0, d1) -> (0, 0)>
module attributes {stable_mosaic.version = 14 : i64} {
  func.func @_sc_pool(%arg0: i32, %arg1: i32, %arg2: memref<200704x128xf32, #tpu.memory_space<hbm>>, %arg3: memref<25088x128xf32, #tpu.memory_space<hbm>>, %arg4: memref<224x128xf32, #tpu.memory_space<vmem>>, %arg5: memref<224x128xf32, #tpu.memory_space<vmem>>, %arg6: memref<112x128xf32, #tpu.memory_space<vmem>>, %arg7: memref<112x128xf32, #tpu.memory_space<vmem>>, %arg8: memref<!tpu.dma_semaphore, #tpu.memory_space<semaphore_mem>>, %arg9: memref<!tpu.dma_semaphore, #tpu.memory_space<semaphore_mem>>, %arg10: memref<!tpu.dma_semaphore, #tpu.memory_space<semaphore_mem>>, %arg11: memref<!tpu.dma_semaphore, #tpu.memory_space<semaphore_mem>>) attributes {dimension_semantics = [#tpu.dimension_semantics<core_parallel>, #tpu.dimension_semantics<subcore_parallel>], iteration_bounds = array<i64: 2, 16>, scalar_prefetch = 0 : i64, scratch_operands = 8 : i64, tpu.core_type = #tpu.core_type<sc_vector_subcore>, window_params = [{transform_indices = #map}, {transform_indices = #map}]} {
    %mul3A = arith.constant 2 : i32
    %mul3A_0 = arith.muli %arg1, %mul3A : i32
    %add3A = arith.addi %mul3A_0, %arg0 : i32
    %mul3A_1 = arith.constant 784 : i32
    %mul3A_2 = arith.muli %add3A, %mul3A_1 : i32
    %add3A_3 = arith.constant 0 : i32
    %add3A_4 = arith.addi %mul3A_2, %add3A_3 : i32
    %mul3A_5 = arith.constant 2 : i32
    %mul3A_6 = arith.muli %mul3A_5, %add3A_4 : i32
    %dma_start3A = arith.constant 0 : i32
    %dma_start3A_7 = tpu.memref_slice %arg2[%mul3A_6, %dma_start3A] : memref<200704x128xf32, #tpu.memory_space<hbm>> -> memref<224x128xf32, #tpu.memory_space<hbm>>
    %dma_start3A_8 = arith.constant 0 : i32
    %dma_start3A_9 = tpu.memref_slice %arg2[%mul3A_6, %dma_start3A_8] : memref<200704x128xf32, #tpu.memory_space<hbm>> -> memref<224x128xf32, #tpu.memory_space<hbm>>
    tpu.enqueue_dma source(%dma_start3A_9 : memref<224x128xf32, #tpu.memory_space<hbm>>) target(%arg4 : memref<224x128xf32, #tpu.memory_space<vmem>>) target_semaphore(%arg8 : memref<!tpu.dma_semaphore, #tpu.memory_space<semaphore_mem>>)
    %scan3A = arith.constant 0 : i32
    %scan3A_10 = arith.constant 0 : i32
    %scan3A_11 = arith.constant 3 : i32
    %scan3A_12 = arith.addi %scan3A_10, %scan3A_11 : i32
    %scan3A_13 = arith.constant 1 : i32
    %scan3A_14 = scf.for %scan3A_47 = %scan3A_10 to %scan3A_12 step %scan3A_13 iter_args(%scan3A_48 = %scan3A) -> (i32)  : i32 {
      %mul3A_49 = arith.constant 2 : i32
      %mul3A_50 = arith.muli %mul3A_49, %scan3A_47 : i32
      %add3A_51 = arith.constant 0 : i32
      %add3A_52 = arith.addi %mul3A_50, %add3A_51 : i32
      %add3A_53 = arith.constant 1 : i32
      %add3A_54 = arith.addi %add3A_52, %add3A_53 : i32
      %lt3A = arith.constant 7 : i32
      %lt3A_55 = arith.cmpi slt, %add3A_54, %lt3A : i32
      %convert_element_type3A = arith.extui %lt3A_55 : i1 to i32
      %cond3A = arith.constant 0 : i32
      %cond3A_56 = arith.cmpi ne, %convert_element_type3A, %cond3A : i32
      scf.if %cond3A_56 {
        %add3A_110 = arith.constant 1 : i32
        %add3A_111 = arith.addi %add3A_52, %add3A_110 : i32
        %mul3A_112 = arith.constant 112 : i32
        %mul3A_113 = arith.muli %add3A_111, %mul3A_112 : i32
        %add3A_114 = arith.addi %mul3A_2, %mul3A_113 : i32
        %mul3A_115 = arith.constant 2 : i32
        %mul3A_116 = arith.muli %mul3A_115, %add3A_114 : i32
        %dma_start3A_117 = arith.constant 0 : i32
        %dma_start3A_118 = tpu.memref_slice %arg2[%mul3A_116, %dma_start3A_117] : memref<200704x128xf32, #tpu.memory_space<hbm>> -> memref<224x128xf32, #tpu.memory_space<hbm>>
        %dma_start3A_119 = arith.constant 0 : i32
        %dma_start3A_120 = tpu.memref_slice %arg2[%mul3A_116, %dma_start3A_119] : memref<200704x128xf32, #tpu.memory_space<hbm>> -> memref<224x128xf32, #tpu.memory_space<hbm>>
        tpu.enqueue_dma source(%dma_start3A_120 : memref<224x128xf32, #tpu.memory_space<hbm>>) target(%arg5 : memref<224x128xf32, #tpu.memory_space<vmem>>) target_semaphore(%arg9 : memref<!tpu.dma_semaphore, #tpu.memory_space<semaphore_mem>>)
      } else {
      }
      %dma_wait3A_57 = arith.constant 0 : i32
      %dma_wait3A_58 = arith.constant 0 : i32
      %dma_wait3A_59 = tpu.memref_slice %arg2[%dma_wait3A_57, %dma_wait3A_58] : memref<200704x128xf32, #tpu.memory_space<hbm>> -> memref<224x128xf32, #tpu.memory_space<hbm>>
      %dma_wait3A_60 = arith.constant 0 : i32
      %dma_wait3A_61 = arith.constant 0 : i32
      %dma_wait3A_62 = tpu.memref_slice %arg2[%dma_wait3A_60, %dma_wait3A_61] : memref<200704x128xf32, #tpu.memory_space<hbm>> -> memref<224x128xf32, #tpu.memory_space<hbm>>
      tpu.wait_dma2 semaphore(%arg8 : memref<!tpu.dma_semaphore, #tpu.memory_space<semaphore_mem>>) src(%dma_wait3A_62 : memref<224x128xf32, #tpu.memory_space<hbm>>) dst(%arg4 : memref<224x128xf32, #tpu.memory_space<vmem>>)
      %ge3A = arith.constant 2 : i32
      %ge3A_63 = arith.cmpi sge, %add3A_52, %ge3A : i32
      %convert_element_type3A_64 = arith.extui %ge3A_63 : i1 to i32
      %cond3A_65 = arith.constant 0 : i32
      %cond3A_66 = arith.cmpi ne, %convert_element_type3A_64, %cond3A_65 : i32
      scf.if %cond3A_66 {
        %dma_wait3A_110 = arith.constant 0 : i32
        %dma_wait3A_111 = arith.constant 0 : i32
        %dma_wait3A_112 = tpu.memref_slice %arg3[%dma_wait3A_110, %dma_wait3A_111] : memref<25088x128xf32, #tpu.memory_space<hbm>> -> memref<112x128xf32, #tpu.memory_space<hbm>>
        %dma_wait3A_113 = arith.constant 0 : i32
        %dma_wait3A_114 = arith.constant 0 : i32
        %dma_wait3A_115 = tpu.memref_slice %arg3[%dma_wait3A_113, %dma_wait3A_114] : memref<25088x128xf32, #tpu.memory_space<hbm>> -> memref<112x128xf32, #tpu.memory_space<hbm>>
        tpu.wait_dma2 semaphore(%arg10 : memref<!tpu.dma_semaphore, #tpu.memory_space<semaphore_mem>>) src(%arg6 : memref<112x128xf32, #tpu.memory_space<vmem>>) dst(%dma_wait3A_115 : memref<112x128xf32, #tpu.memory_space<hbm>>)
      } else {
      }
      %parallel_loop3A_67 = arith.constant 0 : i32
      %parallel_loop3A_68 = arith.constant 112 : i32
      %parallel_loop3A_69 = arith.constant 1 : i32
      scf.for %parallel_loop3A_110 = %parallel_loop3A_67 to %parallel_loop3A_68 step %parallel_loop3A_69  : i32 {
        %parallel_loop3A_111 = arith.constant 2 : i32
        %parallel_loop3A_112 = arith.muli %parallel_loop3A_111, %parallel_loop3A_110 : i32
        %parallel_loop3A_113 = arith.index_cast %parallel_loop3A_112 : i32 to index
        %parallel_loop3A_114 = arith.constant 0 : index
        %parallel_loop3A_115 = tpu.vector_load %arg4[%parallel_loop3A_113, %parallel_loop3A_114] {strides = array<i32>} : memref<224x128xf32, #tpu.memory_space<vmem>>, vector<1x16xf32>,
        %parallel_loop3A_116 = vector.shape_cast %parallel_loop3A_115 : vector<1x16xf32> to vector<16xf32>
        %parallel_loop3A_117 = arith.constant 2 : i32
        %parallel_loop3A_118 = arith.muli %parallel_loop3A_117, %parallel_loop3A_110 : i32
        %parallel_loop3A_119 = arith.constant 1 : i32
        %parallel_loop3A_120 = arith.addi %parallel_loop3A_118, %parallel_loop3A_119 : i32
        %parallel_loop3A_121 = arith.index_cast %parallel_loop3A_120 : i32 to index
        %parallel_loop3A_122 = arith.constant 0 : index
        %parallel_loop3A_123 = tpu.vector_load %arg4[%parallel_loop3A_121, %parallel_loop3A_122] {strides = array<i32>} : memref<224x128xf32, #tpu.memory_space<vmem>>, vector<1x16xf32>,
        %parallel_loop3A_124 = vector.shape_cast %parallel_loop3A_123 : vector<1x16xf32> to vector<16xf32>
        %parallel_loop3A_125 = arith.maximumf %parallel_loop3A_116, %parallel_loop3A_124 : vector<16xf32>
        %parallel_loop3A_126 = arith.index_cast %parallel_loop3A_110 : i32 to index
        %parallel_loop3A_127 = arith.constant 0 : index
        %parallel_loop3A_128 = tpu.vector_load %arg6[%parallel_loop3A_126, %parallel_loop3A_127] {strides = array<i32>} : memref<112x128xf32, #tpu.memory_space<vmem>>, vector<1x16xf32>,
        %parallel_loop3A_129 = vector.shape_cast %parallel_loop3A_128 : vector<1x16xf32> to vector<16xf32>
        %parallel_loop3A_130 = vector.shape_cast %parallel_loop3A_125 : vector<16xf32> to vector<1x16xf32>
        tpu.vector_store %arg6[%parallel_loop3A_126, %parallel_loop3A_127], %parallel_loop3A_130 {strides = array<i32>} : memref<112x128xf32, #tpu.memory_space<vmem>>, vector<1x16xf32>,
        %parallel_loop3A_131 = arith.constant 2 : i32
        %parallel_loop3A_132 = arith.muli %parallel_loop3A_131, %parallel_loop3A_110 : i32
        %parallel_loop3A_133 = arith.index_cast %parallel_loop3A_132 : i32 to index
        %parallel_loop3A_134 = arith.constant 16 : index
        %parallel_loop3A_135 = tpu.vector_load %arg4[%parallel_loop3A_133, %parallel_loop3A_134] {strides = array<i32>} : memref<224x128xf32, #tpu.memory_space<vmem>>, vector<1x16xf32>,
        %parallel_loop3A_136 = vector.shape_cast %parallel_loop3A_135 : vector<1x16xf32> to vector<16xf32>
        %parallel_loop3A_137 = arith.constant 2 : i32
        %parallel_loop3A_138 = arith.muli %parallel_loop3A_137, %parallel_loop3A_110 : i32
        %parallel_loop3A_139 = arith.constant 1 : i32
        %parallel_loop3A_140 = arith.addi %parallel_loop3A_138, %parallel_loop3A_139 : i32
        %parallel_loop3A_141 = arith.index_cast %parallel_loop3A_140 : i32 to index
        %parallel_loop3A_142 = arith.constant 16 : index
        %parallel_loop3A_143 = tpu.vector_load %arg4[%parallel_loop3A_141, %parallel_loop3A_142] {strides = array<i32>} : memref<224x128xf32, #tpu.memory_space<vmem>>, vector<1x16xf32>,
        %parallel_loop3A_144 = vector.shape_cast %parallel_loop3A_143 : vector<1x16xf32> to vector<16xf32>
        %parallel_loop3A_145 = arith.maximumf %parallel_loop3A_136, %parallel_loop3A_144 : vector<16xf32>
        %parallel_loop3A_146 = arith.index_cast %parallel_loop3A_110 : i32 to index
        %parallel_loop3A_147 = arith.constant 16 : index
        %parallel_loop3A_148 = tpu.vector_load %arg6[%parallel_loop3A_146, %parallel_loop3A_147] {strides = array<i32>} : memref<112x128xf32, #tpu.memory_space<vmem>>, vector<1x16xf32>,
        %parallel_loop3A_149 = vector.shape_cast %parallel_loop3A_148 : vector<1x16xf32> to vector<16xf32>
        %parallel_loop3A_150 = vector.shape_cast %parallel_loop3A_145 : vector<16xf32> to vector<1x16xf32>
        tpu.vector_store %arg6[%parallel_loop3A_146, %parallel_loop3A_147], %parallel_loop3A_150 {strides = array<i32>} : memref<112x128xf32, #tpu.memory_space<vmem>>, vector<1x16xf32>,
        %parallel_loop3A_151 = arith.constant 2 : i32
        %parallel_loop3A_152 = arith.muli %parallel_loop3A_151, %parallel_loop3A_110 : i32
        %parallel_loop3A_153 = arith.index_cast %parallel_loop3A_152 : i32 to index
        %parallel_loop3A_154 = arith.constant 32 : index
        %parallel_loop3A_155 = tpu.vector_load %arg4[%parallel_loop3A_153, %parallel_loop3A_154] {strides = array<i32>} : memref<224x128xf32, #tpu.memory_space<vmem>>, vector<1x16xf32>,
        %parallel_loop3A_156 = vector.shape_cast %parallel_loop3A_155 : vector<1x16xf32> to vector<16xf32>
        %parallel_loop3A_157 = arith.constant 2 : i32
        %parallel_loop3A_158 = arith.muli %parallel_loop3A_157, %parallel_loop3A_110 : i32
        %parallel_loop3A_159 = arith.constant 1 : i32
        %parallel_loop3A_160 = arith.addi %parallel_loop3A_158, %parallel_loop3A_159 : i32
        %parallel_loop3A_161 = arith.index_cast %parallel_loop3A_160 : i32 to index
        %parallel_loop3A_162 = arith.constant 32 : index
        %parallel_loop3A_163 = tpu.vector_load %arg4[%parallel_loop3A_161, %parallel_loop3A_162] {strides = array<i32>} : memref<224x128xf32, #tpu.memory_space<vmem>>, vector<1x16xf32>,
        %parallel_loop3A_164 = vector.shape_cast %parallel_loop3A_163 : vector<1x16xf32> to vector<16xf32>
        %parallel_loop3A_165 = arith.maximumf %parallel_loop3A_156, %parallel_loop3A_164 : vector<16xf32>
        %parallel_loop3A_166 = arith.index_cast %parallel_loop3A_110 : i32 to index
        %parallel_loop3A_167 = arith.constant 32 : index
        %parallel_loop3A_168 = tpu.vector_load %arg6[%parallel_loop3A_166, %parallel_loop3A_167] {strides = array<i32>} : memref<112x128xf32, #tpu.memory_space<vmem>>, vector<1x16xf32>,
        %parallel_loop3A_169 = vector.shape_cast %parallel_loop3A_168 : vector<1x16xf32> to vector<16xf32>
        %parallel_loop3A_170 = vector.shape_cast %parallel_loop3A_165 : vector<16xf32> to vector<1x16xf32>
        tpu.vector_store %arg6[%parallel_loop3A_166, %parallel_loop3A_167], %parallel_loop3A_170 {strides = array<i32>} : memref<112x128xf32, #tpu.memory_space<vmem>>, vector<1x16xf32>,
        %parallel_loop3A_171 = arith.constant 2 : i32
        %parallel_loop3A_172 = arith.muli %parallel_loop3A_171, %parallel_loop3A_110 : i32
        %parallel_loop3A_173 = arith.index_cast %parallel_loop3A_172 : i32 to index
        %parallel_loop3A_174 = arith.constant 48 : index
        %parallel_loop3A_175 = tpu.vector_load %arg4[%parallel_loop3A_173, %parallel_loop3A_174] {strides = array<i32>} : memref<224x128xf32, #tpu.memory_space<vmem>>, vector<1x16xf32>,
        %parallel_loop3A_176 = vector.shape_cast %parallel_loop3A_175 : vector<1x16xf32> to vector<16xf32>
        %parallel_loop3A_177 = arith.constant 2 : i32
        %parallel_loop3A_178 = arith.muli %parallel_loop3A_177, %parallel_loop3A_110 : i32
        %parallel_loop3A_179 = arith.constant 1 : i32
        %parallel_loop3A_180 = arith.addi %parallel_loop3A_178, %parallel_loop3A_179 : i32
        %parallel_loop3A_181 = arith.index_cast %parallel_loop3A_180 : i32 to index
        %parallel_loop3A_182 = arith.constant 48 : index
        %parallel_loop3A_183 = tpu.vector_load %arg4[%parallel_loop3A_181, %parallel_loop3A_182] {strides = array<i32>} : memref<224x128xf32, #tpu.memory_space<vmem>>, vector<1x16xf32>,
        %parallel_loop3A_184 = vector.shape_cast %parallel_loop3A_183 : vector<1x16xf32> to vector<16xf32>
        %parallel_loop3A_185 = arith.maximumf %parallel_loop3A_176, %parallel_loop3A_184 : vector<16xf32>
        %parallel_loop3A_186 = arith.index_cast %parallel_loop3A_110 : i32 to index
        %parallel_loop3A_187 = arith.constant 48 : index
        %parallel_loop3A_188 = tpu.vector_load %arg6[%parallel_loop3A_186, %parallel_loop3A_187] {strides = array<i32>} : memref<112x128xf32, #tpu.memory_space<vmem>>, vector<1x16xf32>,
        %parallel_loop3A_189 = vector.shape_cast %parallel_loop3A_188 : vector<1x16xf32> to vector<16xf32>
        %parallel_loop3A_190 = vector.shape_cast %parallel_loop3A_185 : vector<16xf32> to vector<1x16xf32>
        tpu.vector_store %arg6[%parallel_loop3A_186, %parallel_loop3A_187], %parallel_loop3A_190 {strides = array<i32>} : memref<112x128xf32, #tpu.memory_space<vmem>>, vector<1x16xf32>,
        %parallel_loop3A_191 = arith.constant 2 : i32
        %parallel_loop3A_192 = arith.muli %parallel_loop3A_191, %parallel_loop3A_110 : i32
        %parallel_loop3A_193 = arith.index_cast %parallel_loop3A_192 : i32 to index
        %parallel_loop3A_194 = arith.constant 64 : index
        %parallel_loop3A_195 = tpu.vector_load %arg4[%parallel_loop3A_193, %parallel_loop3A_194] {strides = array<i32>} : memref<224x128xf32, #tpu.memory_space<vmem>>, vector<1x16xf32>,
        %parallel_loop3A_196 = vector.shape_cast %parallel_loop3A_195 : vector<1x16xf32> to vector<16xf32>
        %parallel_loop3A_197 = arith.constant 2 : i32
        %parallel_loop3A_198 = arith.muli %parallel_loop3A_197, %parallel_loop3A_110 : i32
        %parallel_loop3A_199 = arith.constant 1 : i32
        %parallel_loop3A_200 = arith.addi %parallel_loop3A_198, %parallel_loop3A_199 : i32
        %parallel_loop3A_201 = arith.index_cast %parallel_loop3A_200 : i32 to index
        %parallel_loop3A_202 = arith.constant 64 : index
        %parallel_loop3A_203 = tpu.vector_load %arg4[%parallel_loop3A_201, %parallel_loop3A_202] {strides = array<i32>} : memref<224x128xf32, #tpu.memory_space<vmem>>, vector<1x16xf32>,
        %parallel_loop3A_204 = vector.shape_cast %parallel_loop3A_203 : vector<1x16xf32> to vector<16xf32>
        %parallel_loop3A_205 = arith.maximumf %parallel_loop3A_196, %parallel_loop3A_204 : vector<16xf32>
        %parallel_loop3A_206 = arith.index_cast %parallel_loop3A_110 : i32 to index
        %parallel_loop3A_207 = arith.constant 64 : index
        %parallel_loop3A_208 = tpu.vector_load %arg6[%parallel_loop3A_206, %parallel_loop3A_207] {strides = array<i32>} : memref<112x128xf32, #tpu.memory_space<vmem>>, vector<1x16xf32>,
        %parallel_loop3A_209 = vector.shape_cast %parallel_loop3A_208 : vector<1x16xf32> to vector<16xf32>
        %parallel_loop3A_210 = vector.shape_cast %parallel_loop3A_205 : vector<16xf32> to vector<1x16xf32>
        tpu.vector_store %arg6[%parallel_loop3A_206, %parallel_loop3A_207], %parallel_loop3A_210 {strides = array<i32>} : memref<112x128xf32, #tpu.memory_space<vmem>>, vector<1x16xf32>,
        %parallel_loop3A_211 = arith.constant 2 : i32
        %parallel_loop3A_212 = arith.muli %parallel_loop3A_211, %parallel_loop3A_110 : i32
        %parallel_loop3A_213 = arith.index_cast %parallel_loop3A_212 : i32 to index
        %parallel_loop3A_214 = arith.constant 80 : index
        %parallel_loop3A_215 = tpu.vector_load %arg4[%parallel_loop3A_213, %parallel_loop3A_214] {strides = array<i32>} : memref<224x128xf32, #tpu.memory_space<vmem>>, vector<1x16xf32>,
        %parallel_loop3A_216 = vector.shape_cast %parallel_loop3A_215 : vector<1x16xf32> to vector<16xf32>
        %parallel_loop3A_217 = arith.constant 2 : i32
        %parallel_loop3A_218 = arith.muli %parallel_loop3A_217, %parallel_loop3A_110 : i32
        %parallel_loop3A_219 = arith.constant 1 : i32
        %parallel_loop3A_220 = arith.addi %parallel_loop3A_218, %parallel_loop3A_219 : i32
        %parallel_loop3A_221 = arith.index_cast %parallel_loop3A_220 : i32 to index
        %parallel_loop3A_222 = arith.constant 80 : index
        %parallel_loop3A_223 = tpu.vector_load %arg4[%parallel_loop3A_221, %parallel_loop3A_222] {strides = array<i32>} : memref<224x128xf32, #tpu.memory_space<vmem>>, vector<1x16xf32>,
        %parallel_loop3A_224 = vector.shape_cast %parallel_loop3A_223 : vector<1x16xf32> to vector<16xf32>
        %parallel_loop3A_225 = arith.maximumf %parallel_loop3A_216, %parallel_loop3A_224 : vector<16xf32>
        %parallel_loop3A_226 = arith.index_cast %parallel_loop3A_110 : i32 to index
        %parallel_loop3A_227 = arith.constant 80 : index
        %parallel_loop3A_228 = tpu.vector_load %arg6[%parallel_loop3A_226, %parallel_loop3A_227] {strides = array<i32>} : memref<112x128xf32, #tpu.memory_space<vmem>>, vector<1x16xf32>,
        %parallel_loop3A_229 = vector.shape_cast %parallel_loop3A_228 : vector<1x16xf32> to vector<16xf32>
        %parallel_loop3A_230 = vector.shape_cast %parallel_loop3A_225 : vector<16xf32> to vector<1x16xf32>
        tpu.vector_store %arg6[%parallel_loop3A_226, %parallel_loop3A_227], %parallel_loop3A_230 {strides = array<i32>} : memref<112x128xf32, #tpu.memory_space<vmem>>, vector<1x16xf32>,
        %parallel_loop3A_231 = arith.constant 2 : i32
        %parallel_loop3A_232 = arith.muli %parallel_loop3A_231, %parallel_loop3A_110 : i32
        %parallel_loop3A_233 = arith.index_cast %parallel_loop3A_232 : i32 to index
        %parallel_loop3A_234 = arith.constant 96 : index
        %parallel_loop3A_235 = tpu.vector_load %arg4[%parallel_loop3A_233, %parallel_loop3A_234] {strides = array<i32>} : memref<224x128xf32, #tpu.memory_space<vmem>>, vector<1x16xf32>,
        %parallel_loop3A_236 = vector.shape_cast %parallel_loop3A_235 : vector<1x16xf32> to vector<16xf32>
        %parallel_loop3A_237 = arith.constant 2 : i32
        %parallel_loop3A_238 = arith.muli %parallel_loop3A_237, %parallel_loop3A_110 : i32
        %parallel_loop3A_239 = arith.constant 1 : i32
        %parallel_loop3A_240 = arith.addi %parallel_loop3A_238, %parallel_loop3A_239 : i32
        %parallel_loop3A_241 = arith.index_cast %parallel_loop3A_240 : i32 to index
        %parallel_loop3A_242 = arith.constant 96 : index
        %parallel_loop3A_243 = tpu.vector_load %arg4[%parallel_loop3A_241, %parallel_loop3A_242] {strides = array<i32>} : memref<224x128xf32, #tpu.memory_space<vmem>>, vector<1x16xf32>,
        %parallel_loop3A_244 = vector.shape_cast %parallel_loop3A_243 : vector<1x16xf32> to vector<16xf32>
        %parallel_loop3A_245 = arith.maximumf %parallel_loop3A_236, %parallel_loop3A_244 : vector<16xf32>
        %parallel_loop3A_246 = arith.index_cast %parallel_loop3A_110 : i32 to index
        %parallel_loop3A_247 = arith.constant 96 : index
        %parallel_loop3A_248 = tpu.vector_load %arg6[%parallel_loop3A_246, %parallel_loop3A_247] {strides = array<i32>} : memref<112x128xf32, #tpu.memory_space<vmem>>, vector<1x16xf32>,
        %parallel_loop3A_249 = vector.shape_cast %parallel_loop3A_248 : vector<1x16xf32> to vector<16xf32>
        %parallel_loop3A_250 = vector.shape_cast %parallel_loop3A_245 : vector<16xf32> to vector<1x16xf32>
        tpu.vector_store %arg6[%parallel_loop3A_246, %parallel_loop3A_247], %parallel_loop3A_250 {strides = array<i32>} : memref<112x128xf32, #tpu.memory_space<vmem>>, vector<1x16xf32>,
        %parallel_loop3A_251 = arith.constant 2 : i32
        %parallel_loop3A_252 = arith.muli %parallel_loop3A_251, %parallel_loop3A_110 : i32
        %parallel_loop3A_253 = arith.index_cast %parallel_loop3A_252 : i32 to index
        %parallel_loop3A_254 = arith.constant 112 : index
        %parallel_loop3A_255 = tpu.vector_load %arg4[%parallel_loop3A_253, %parallel_loop3A_254] {strides = array<i32>} : memref<224x128xf32, #tpu.memory_space<vmem>>, vector<1x16xf32>,
        %parallel_loop3A_256 = vector.shape_cast %parallel_loop3A_255 : vector<1x16xf32> to vector<16xf32>
        %parallel_loop3A_257 = arith.constant 2 : i32
        %parallel_loop3A_258 = arith.muli %parallel_loop3A_257, %parallel_loop3A_110 : i32
        %parallel_loop3A_259 = arith.constant 1 : i32
        %parallel_loop3A_260 = arith.addi %parallel_loop3A_258, %parallel_loop3A_259 : i32
        %parallel_loop3A_261 = arith.index_cast %parallel_loop3A_260 : i32 to index
        %parallel_loop3A_262 = arith.constant 112 : index
        %parallel_loop3A_263 = tpu.vector_load %arg4[%parallel_loop3A_261, %parallel_loop3A_262] {strides = array<i32>} : memref<224x128xf32, #tpu.memory_space<vmem>>, vector<1x16xf32>,
        %parallel_loop3A_264 = vector.shape_cast %parallel_loop3A_263 : vector<1x16xf32> to vector<16xf32>
        %parallel_loop3A_265 = arith.maximumf %parallel_loop3A_256, %parallel_loop3A_264 : vector<16xf32>
        %parallel_loop3A_266 = arith.index_cast %parallel_loop3A_110 : i32 to index
        %parallel_loop3A_267 = arith.constant 112 : index
        %parallel_loop3A_268 = tpu.vector_load %arg6[%parallel_loop3A_266, %parallel_loop3A_267] {strides = array<i32>} : memref<112x128xf32, #tpu.memory_space<vmem>>, vector<1x16xf32>,
        %parallel_loop3A_269 = vector.shape_cast %parallel_loop3A_268 : vector<1x16xf32> to vector<16xf32>
        %parallel_loop3A_270 = vector.shape_cast %parallel_loop3A_265 : vector<16xf32> to vector<1x16xf32>
        tpu.vector_store %arg6[%parallel_loop3A_266, %parallel_loop3A_267], %parallel_loop3A_270 {strides = array<i32>} : memref<112x128xf32, #tpu.memory_space<vmem>>, vector<1x16xf32>,
      } {sc.loop_unroll_factor = 4 : i64, sc.parallel_access}
      %mul3A_70 = arith.constant 112 : i32
      %mul3A_71 = arith.muli %add3A_52, %mul3A_70 : i32
      %add3A_72 = arith.addi %mul3A_2, %mul3A_71 : i32
      %dma_start3A_73 = arith.constant 0 : i32
      %dma_start3A_74 = tpu.memref_slice %arg3[%add3A_72, %dma_start3A_73] : memref<25088x128xf32, #tpu.memory_space<hbm>> -> memref<112x128xf32, #tpu.memory_space<hbm>>
      %dma_start3A_75 = arith.constant 0 : i32
      %dma_start3A_76 = tpu.memref_slice %arg3[%add3A_72, %dma_start3A_75] : memref<25088x128xf32, #tpu.memory_space<hbm>> -> memref<112x128xf32, #tpu.memory_space<hbm>>
      tpu.enqueue_dma source(%arg6 : memref<112x128xf32, #tpu.memory_space<vmem>>) target(%dma_start3A_76 : memref<112x128xf32, #tpu.memory_space<hbm>>) target_semaphore(%arg10 : memref<!tpu.dma_semaphore, #tpu.memory_space<semaphore_mem>>)
      %mul3A_77 = arith.constant 2 : i32
      %mul3A_78 = arith.muli %mul3A_77, %scan3A_47 : i32
      %add3A_79 = arith.constant 1 : i32
      %add3A_80 = arith.addi %mul3A_78, %add3A_79 : i32
      %add3A_81 = arith.constant 1 : i32
      %add3A_82 = arith.addi %add3A_80, %add3A_81 : i32
      %lt3A_83 = arith.constant 7 : i32
      %lt3A_84 = arith.cmpi slt, %add3A_82, %lt3A_83 : i32
      %convert_element_type3A_85 = arith.extui %lt3A_84 : i1 to i32
      %cond3A_86 = arith.constant 0 : i32
      %cond3A_87 = arith.cmpi ne, %convert_element_type3A_85, %cond3A_86 : i32
      scf.if %cond3A_87 {
        %add3A_110 = arith.constant 1 : i32
        %add3A_111 = arith.addi %add3A_80, %add3A_110 : i32
        %mul3A_112 = arith.constant 112 : i32
        %mul3A_113 = arith.muli %add3A_111, %mul3A_112 : i32
        %add3A_114 = arith.addi %mul3A_2, %mul3A_113 : i32
        %mul3A_115 = arith.constant 2 : i32
        %mul3A_116 = arith.muli %mul3A_115, %add3A_114 : i32
        %dma_start3A_117 = arith.constant 0 : i32
        %dma_start3A_118 = tpu.memref_slice %arg2[%mul3A_116, %dma_start3A_117] : memref<200704x128xf32, #tpu.memory_space<hbm>> -> memref<224x128xf32, #tpu.memory_space<hbm>>
        %dma_start3A_119 = arith.constant 0 : i32
        %dma_start3A_120 = tpu.memref_slice %arg2[%mul3A_116, %dma_start3A_119] : memref<200704x128xf32, #tpu.memory_space<hbm>> -> memref<224x128xf32, #tpu.memory_space<hbm>>
        tpu.enqueue_dma source(%dma_start3A_120 : memref<224x128xf32, #tpu.memory_space<hbm>>) target(%arg4 : memref<224x128xf32, #tpu.memory_space<vmem>>) target_semaphore(%arg8 : memref<!tpu.dma_semaphore, #tpu.memory_space<semaphore_mem>>)
      } else {
      }
      %dma_wait3A_88 = arith.constant 0 : i32
      %dma_wait3A_89 = arith.constant 0 : i32
      %dma_wait3A_90 = tpu.memref_slice %arg2[%dma_wait3A_88, %dma_wait3A_89] : memref<200704x128xf32, #tpu.memory_space<hbm>> -> memref<224x128xf32, #tpu.memory_space<hbm>>
      %dma_wait3A_91 = arith.constant 0 : i32
      %dma_wait3A_92 = arith.constant 0 : i32
      %dma_wait3A_93 = tpu.memref_slice %arg2[%dma_wait3A_91, %dma_wait3A_92] : memref<200704x128xf32, #tpu.memory_space<hbm>> -> memref<224x128xf32, #tpu.memory_space<hbm>>
      tpu.wait_dma2 semaphore(%arg9 : memref<!tpu.dma_semaphore, #tpu.memory_space<semaphore_mem>>) src(%dma_wait3A_93 : memref<224x128xf32, #tpu.memory_space<hbm>>) dst(%arg5 : memref<224x128xf32, #tpu.memory_space<vmem>>)
      %ge3A_94 = arith.constant 2 : i32
      %ge3A_95 = arith.cmpi sge, %add3A_80, %ge3A_94 : i32
      %convert_element_type3A_96 = arith.extui %ge3A_95 : i1 to i32
      %cond3A_97 = arith.constant 0 : i32
      %cond3A_98 = arith.cmpi ne, %convert_element_type3A_96, %cond3A_97 : i32
      scf.if %cond3A_98 {
        %dma_wait3A_110 = arith.constant 0 : i32
        %dma_wait3A_111 = arith.constant 0 : i32
        %dma_wait3A_112 = tpu.memref_slice %arg3[%dma_wait3A_110, %dma_wait3A_111] : memref<25088x128xf32, #tpu.memory_space<hbm>> -> memref<112x128xf32, #tpu.memory_space<hbm>>
        %dma_wait3A_113 = arith.constant 0 : i32
        %dma_wait3A_114 = arith.constant 0 : i32
        %dma_wait3A_115 = tpu.memref_slice %arg3[%dma_wait3A_113, %dma_wait3A_114] : memref<25088x128xf32, #tpu.memory_space<hbm>> -> memref<112x128xf32, #tpu.memory_space<hbm>>
        tpu.wait_dma2 semaphore(%arg11 : memref<!tpu.dma_semaphore, #tpu.memory_space<semaphore_mem>>) src(%arg7 : memref<112x128xf32, #tpu.memory_space<vmem>>) dst(%dma_wait3A_115 : memref<112x128xf32, #tpu.memory_space<hbm>>)
      } else {
      }
      %parallel_loop3A_99 = arith.constant 0 : i32
      %parallel_loop3A_100 = arith.constant 112 : i32
      %parallel_loop3A_101 = arith.constant 1 : i32
      scf.for %parallel_loop3A_110 = %parallel_loop3A_99 to %parallel_loop3A_100 step %parallel_loop3A_101  : i32 {
        %parallel_loop3A_111 = arith.constant 2 : i32
        %parallel_loop3A_112 = arith.muli %parallel_loop3A_111, %parallel_loop3A_110 : i32
        %parallel_loop3A_113 = arith.index_cast %parallel_loop3A_112 : i32 to index
        %parallel_loop3A_114 = arith.constant 0 : index
        %parallel_loop3A_115 = tpu.vector_load %arg5[%parallel_loop3A_113, %parallel_loop3A_114] {strides = array<i32>} : memref<224x128xf32, #tpu.memory_space<vmem>>, vector<1x16xf32>,
        %parallel_loop3A_116 = vector.shape_cast %parallel_loop3A_115 : vector<1x16xf32> to vector<16xf32>
        %parallel_loop3A_117 = arith.constant 2 : i32
        %parallel_loop3A_118 = arith.muli %parallel_loop3A_117, %parallel_loop3A_110 : i32
        %parallel_loop3A_119 = arith.constant 1 : i32
        %parallel_loop3A_120 = arith.addi %parallel_loop3A_118, %parallel_loop3A_119 : i32
        %parallel_loop3A_121 = arith.index_cast %parallel_loop3A_120 : i32 to index
        %parallel_loop3A_122 = arith.constant 0 : index
        %parallel_loop3A_123 = tpu.vector_load %arg5[%parallel_loop3A_121, %parallel_loop3A_122] {strides = array<i32>} : memref<224x128xf32, #tpu.memory_space<vmem>>, vector<1x16xf32>,
        %parallel_loop3A_124 = vector.shape_cast %parallel_loop3A_123 : vector<1x16xf32> to vector<16xf32>
        %parallel_loop3A_125 = arith.maximumf %parallel_loop3A_116, %parallel_loop3A_124 : vector<16xf32>
        %parallel_loop3A_126 = arith.index_cast %parallel_loop3A_110 : i32 to index
        %parallel_loop3A_127 = arith.constant 0 : index
        %parallel_loop3A_128 = tpu.vector_load %arg7[%parallel_loop3A_126, %parallel_loop3A_127] {strides = array<i32>} : memref<112x128xf32, #tpu.memory_space<vmem>>, vector<1x16xf32>,
        %parallel_loop3A_129 = vector.shape_cast %parallel_loop3A_128 : vector<1x16xf32> to vector<16xf32>
        %parallel_loop3A_130 = vector.shape_cast %parallel_loop3A_125 : vector<16xf32> to vector<1x16xf32>
        tpu.vector_store %arg7[%parallel_loop3A_126, %parallel_loop3A_127], %parallel_loop3A_130 {strides = array<i32>} : memref<112x128xf32, #tpu.memory_space<vmem>>, vector<1x16xf32>,
        %parallel_loop3A_131 = arith.constant 2 : i32
        %parallel_loop3A_132 = arith.muli %parallel_loop3A_131, %parallel_loop3A_110 : i32
        %parallel_loop3A_133 = arith.index_cast %parallel_loop3A_132 : i32 to index
        %parallel_loop3A_134 = arith.constant 16 : index
        %parallel_loop3A_135 = tpu.vector_load %arg5[%parallel_loop3A_133, %parallel_loop3A_134] {strides = array<i32>} : memref<224x128xf32, #tpu.memory_space<vmem>>, vector<1x16xf32>,
        %parallel_loop3A_136 = vector.shape_cast %parallel_loop3A_135 : vector<1x16xf32> to vector<16xf32>
        %parallel_loop3A_137 = arith.constant 2 : i32
        %parallel_loop3A_138 = arith.muli %parallel_loop3A_137, %parallel_loop3A_110 : i32
        %parallel_loop3A_139 = arith.constant 1 : i32
        %parallel_loop3A_140 = arith.addi %parallel_loop3A_138, %parallel_loop3A_139 : i32
        %parallel_loop3A_141 = arith.index_cast %parallel_loop3A_140 : i32 to index
        %parallel_loop3A_142 = arith.constant 16 : index
        %parallel_loop3A_143 = tpu.vector_load %arg5[%parallel_loop3A_141, %parallel_loop3A_142] {strides = array<i32>} : memref<224x128xf32, #tpu.memory_space<vmem>>, vector<1x16xf32>,
        %parallel_loop3A_144 = vector.shape_cast %parallel_loop3A_143 : vector<1x16xf32> to vector<16xf32>
        %parallel_loop3A_145 = arith.maximumf %parallel_loop3A_136, %parallel_loop3A_144 : vector<16xf32>
        %parallel_loop3A_146 = arith.index_cast %parallel_loop3A_110 : i32 to index
        %parallel_loop3A_147 = arith.constant 16 : index
        %parallel_loop3A_148 = tpu.vector_load %arg7[%parallel_loop3A_146, %parallel_loop3A_147] {strides = array<i32>} : memref<112x128xf32, #tpu.memory_space<vmem>>, vector<1x16xf32>,
        %parallel_loop3A_149 = vector.shape_cast %parallel_loop3A_148 : vector<1x16xf32> to vector<16xf32>
        %parallel_loop3A_150 = vector.shape_cast %parallel_loop3A_145 : vector<16xf32> to vector<1x16xf32>
        tpu.vector_store %arg7[%parallel_loop3A_146, %parallel_loop3A_147], %parallel_loop3A_150 {strides = array<i32>} : memref<112x128xf32, #tpu.memory_space<vmem>>, vector<1x16xf32>,
        %parallel_loop3A_151 = arith.constant 2 : i32
        %parallel_loop3A_152 = arith.muli %parallel_loop3A_151, %parallel_loop3A_110 : i32
        %parallel_loop3A_153 = arith.index_cast %parallel_loop3A_152 : i32 to index
        %parallel_loop3A_154 = arith.constant 32 : index
        %parallel_loop3A_155 = tpu.vector_load %arg5[%parallel_loop3A_153, %parallel_loop3A_154] {strides = array<i32>} : memref<224x128xf32, #tpu.memory_space<vmem>>, vector<1x16xf32>,
        %parallel_loop3A_156 = vector.shape_cast %parallel_loop3A_155 : vector<1x16xf32> to vector<16xf32>
        %parallel_loop3A_157 = arith.constant 2 : i32
        %parallel_loop3A_158 = arith.muli %parallel_loop3A_157, %parallel_loop3A_110 : i32
        %parallel_loop3A_159 = arith.constant 1 : i32
        %parallel_loop3A_160 = arith.addi %parallel_loop3A_158, %parallel_loop3A_159 : i32
        %parallel_loop3A_161 = arith.index_cast %parallel_loop3A_160 : i32 to index
        %parallel_loop3A_162 = arith.constant 32 : index
        %parallel_loop3A_163 = tpu.vector_load %arg5[%parallel_loop3A_161, %parallel_loop3A_162] {strides = array<i32>} : memref<224x128xf32, #tpu.memory_space<vmem>>, vector<1x16xf32>,
        %parallel_loop3A_164 = vector.shape_cast %parallel_loop3A_163 : vector<1x16xf32> to vector<16xf32>
        %parallel_loop3A_165 = arith.maximumf %parallel_loop3A_156, %parallel_loop3A_164 : vector<16xf32>
        %parallel_loop3A_166 = arith.index_cast %parallel_loop3A_110 : i32 to index
        %parallel_loop3A_167 = arith.constant 32 : index
        %parallel_loop3A_168 = tpu.vector_load %arg7[%parallel_loop3A_166, %parallel_loop3A_167] {strides = array<i32>} : memref<112x128xf32, #tpu.memory_space<vmem>>, vector<1x16xf32>,
        %parallel_loop3A_169 = vector.shape_cast %parallel_loop3A_168 : vector<1x16xf32> to vector<16xf32>
        %parallel_loop3A_170 = vector.shape_cast %parallel_loop3A_165 : vector<16xf32> to vector<1x16xf32>
        tpu.vector_store %arg7[%parallel_loop3A_166, %parallel_loop3A_167], %parallel_loop3A_170 {strides = array<i32>} : memref<112x128xf32, #tpu.memory_space<vmem>>, vector<1x16xf32>,
        %parallel_loop3A_171 = arith.constant 2 : i32
        %parallel_loop3A_172 = arith.muli %parallel_loop3A_171, %parallel_loop3A_110 : i32
        %parallel_loop3A_173 = arith.index_cast %parallel_loop3A_172 : i32 to index
        %parallel_loop3A_174 = arith.constant 48 : index
        %parallel_loop3A_175 = tpu.vector_load %arg5[%parallel_loop3A_173, %parallel_loop3A_174] {strides = array<i32>} : memref<224x128xf32, #tpu.memory_space<vmem>>, vector<1x16xf32>,
        %parallel_loop3A_176 = vector.shape_cast %parallel_loop3A_175 : vector<1x16xf32> to vector<16xf32>
        %parallel_loop3A_177 = arith.constant 2 : i32
        %parallel_loop3A_178 = arith.muli %parallel_loop3A_177, %parallel_loop3A_110 : i32
        %parallel_loop3A_179 = arith.constant 1 : i32
        %parallel_loop3A_180 = arith.addi %parallel_loop3A_178, %parallel_loop3A_179 : i32
        %parallel_loop3A_181 = arith.index_cast %parallel_loop3A_180 : i32 to index
        %parallel_loop3A_182 = arith.constant 48 : index
        %parallel_loop3A_183 = tpu.vector_load %arg5[%parallel_loop3A_181, %parallel_loop3A_182] {strides = array<i32>} : memref<224x128xf32, #tpu.memory_space<vmem>>, vector<1x16xf32>,
        %parallel_loop3A_184 = vector.shape_cast %parallel_loop3A_183 : vector<1x16xf32> to vector<16xf32>
        %parallel_loop3A_185 = arith.maximumf %parallel_loop3A_176, %parallel_loop3A_184 : vector<16xf32>
        %parallel_loop3A_186 = arith.index_cast %parallel_loop3A_110 : i32 to index
        %parallel_loop3A_187 = arith.constant 48 : index
        %parallel_loop3A_188 = tpu.vector_load %arg7[%parallel_loop3A_186, %parallel_loop3A_187] {strides = array<i32>} : memref<112x128xf32, #tpu.memory_space<vmem>>, vector<1x16xf32>,
        %parallel_loop3A_189 = vector.shape_cast %parallel_loop3A_188 : vector<1x16xf32> to vector<16xf32>
        %parallel_loop3A_190 = vector.shape_cast %parallel_loop3A_185 : vector<16xf32> to vector<1x16xf32>
        tpu.vector_store %arg7[%parallel_loop3A_186, %parallel_loop3A_187], %parallel_loop3A_190 {strides = array<i32>} : memref<112x128xf32, #tpu.memory_space<vmem>>, vector<1x16xf32>,
        %parallel_loop3A_191 = arith.constant 2 : i32
        %parallel_loop3A_192 = arith.muli %parallel_loop3A_191, %parallel_loop3A_110 : i32
        %parallel_loop3A_193 = arith.index_cast %parallel_loop3A_192 : i32 to index
        %parallel_loop3A_194 = arith.constant 64 : index
        %parallel_loop3A_195 = tpu.vector_load %arg5[%parallel_loop3A_193, %parallel_loop3A_194] {strides = array<i32>} : memref<224x128xf32, #tpu.memory_space<vmem>>, vector<1x16xf32>,
        %parallel_loop3A_196 = vector.shape_cast %parallel_loop3A_195 : vector<1x16xf32> to vector<16xf32>
        %parallel_loop3A_197 = arith.constant 2 : i32
        %parallel_loop3A_198 = arith.muli %parallel_loop3A_197, %parallel_loop3A_110 : i32
        %parallel_loop3A_199 = arith.constant 1 : i32
        %parallel_loop3A_200 = arith.addi %parallel_loop3A_198, %parallel_loop3A_199 : i32
        %parallel_loop3A_201 = arith.index_cast %parallel_loop3A_200 : i32 to index
        %parallel_loop3A_202 = arith.constant 64 : index
        %parallel_loop3A_203 = tpu.vector_load %arg5[%parallel_loop3A_201, %parallel_loop3A_202] {strides = array<i32>} : memref<224x128xf32, #tpu.memory_space<vmem>>, vector<1x16xf32>,
        %parallel_loop3A_204 = vector.shape_cast %parallel_loop3A_203 : vector<1x16xf32> to vector<16xf32>
        %parallel_loop3A_205 = arith.maximumf %parallel_loop3A_196, %parallel_loop3A_204 : vector<16xf32>
        %parallel_loop3A_206 = arith.index_cast %parallel_loop3A_110 : i32 to index
        %parallel_loop3A_207 = arith.constant 64 : index
        %parallel_loop3A_208 = tpu.vector_load %arg7[%parallel_loop3A_206, %parallel_loop3A_207] {strides = array<i32>} : memref<112x128xf32, #tpu.memory_space<vmem>>, vector<1x16xf32>,
        %parallel_loop3A_209 = vector.shape_cast %parallel_loop3A_208 : vector<1x16xf32> to vector<16xf32>
        %parallel_loop3A_210 = vector.shape_cast %parallel_loop3A_205 : vector<16xf32> to vector<1x16xf32>
        tpu.vector_store %arg7[%parallel_loop3A_206, %parallel_loop3A_207], %parallel_loop3A_210 {strides = array<i32>} : memref<112x128xf32, #tpu.memory_space<vmem>>, vector<1x16xf32>,
        %parallel_loop3A_211 = arith.constant 2 : i32
        %parallel_loop3A_212 = arith.muli %parallel_loop3A_211, %parallel_loop3A_110 : i32
        %parallel_loop3A_213 = arith.index_cast %parallel_loop3A_212 : i32 to index
        %parallel_loop3A_214 = arith.constant 80 : index
        %parallel_loop3A_215 = tpu.vector_load %arg5[%parallel_loop3A_213, %parallel_loop3A_214] {strides = array<i32>} : memref<224x128xf32, #tpu.memory_space<vmem>>, vector<1x16xf32>,
        %parallel_loop3A_216 = vector.shape_cast %parallel_loop3A_215 : vector<1x16xf32> to vector<16xf32>
        %parallel_loop3A_217 = arith.constant 2 : i32
        %parallel_loop3A_218 = arith.muli %parallel_loop3A_217, %parallel_loop3A_110 : i32
        %parallel_loop3A_219 = arith.constant 1 : i32
        %parallel_loop3A_220 = arith.addi %parallel_loop3A_218, %parallel_loop3A_219 : i32
        %parallel_loop3A_221 = arith.index_cast %parallel_loop3A_220 : i32 to index
        %parallel_loop3A_222 = arith.constant 80 : index
        %parallel_loop3A_223 = tpu.vector_load %arg5[%parallel_loop3A_221, %parallel_loop3A_222] {strides = array<i32>} : memref<224x128xf32, #tpu.memory_space<vmem>>, vector<1x16xf32>,
        %parallel_loop3A_224 = vector.shape_cast %parallel_loop3A_223 : vector<1x16xf32> to vector<16xf32>
        %parallel_loop3A_225 = arith.maximumf %parallel_loop3A_216, %parallel_loop3A_224 : vector<16xf32>
        %parallel_loop3A_226 = arith.index_cast %parallel_loop3A_110 : i32 to index
        %parallel_loop3A_227 = arith.constant 80 : index
        %parallel_loop3A_228 = tpu.vector_load %arg7[%parallel_loop3A_226, %parallel_loop3A_227] {strides = array<i32>} : memref<112x128xf32, #tpu.memory_space<vmem>>, vector<1x16xf32>,
        %parallel_loop3A_229 = vector.shape_cast %parallel_loop3A_228 : vector<1x16xf32> to vector<16xf32>
        %parallel_loop3A_230 = vector.shape_cast %parallel_loop3A_225 : vector<16xf32> to vector<1x16xf32>
        tpu.vector_store %arg7[%parallel_loop3A_226, %parallel_loop3A_227], %parallel_loop3A_230 {strides = array<i32>} : memref<112x128xf32, #tpu.memory_space<vmem>>, vector<1x16xf32>,
        %parallel_loop3A_231 = arith.constant 2 : i32
        %parallel_loop3A_232 = arith.muli %parallel_loop3A_231, %parallel_loop3A_110 : i32
        %parallel_loop3A_233 = arith.index_cast %parallel_loop3A_232 : i32 to index
        %parallel_loop3A_234 = arith.constant 96 : index
        %parallel_loop3A_235 = tpu.vector_load %arg5[%parallel_loop3A_233, %parallel_loop3A_234] {strides = array<i32>} : memref<224x128xf32, #tpu.memory_space<vmem>>, vector<1x16xf32>,
        %parallel_loop3A_236 = vector.shape_cast %parallel_loop3A_235 : vector<1x16xf32> to vector<16xf32>
        %parallel_loop3A_237 = arith.constant 2 : i32
        %parallel_loop3A_238 = arith.muli %parallel_loop3A_237, %parallel_loop3A_110 : i32
        %parallel_loop3A_239 = arith.constant 1 : i32
        %parallel_loop3A_240 = arith.addi %parallel_loop3A_238, %parallel_loop3A_239 : i32
        %parallel_loop3A_241 = arith.index_cast %parallel_loop3A_240 : i32 to index
        %parallel_loop3A_242 = arith.constant 96 : index
        %parallel_loop3A_243 = tpu.vector_load %arg5[%parallel_loop3A_241, %parallel_loop3A_242] {strides = array<i32>} : memref<224x128xf32, #tpu.memory_space<vmem>>, vector<1x16xf32>,
        %parallel_loop3A_244 = vector.shape_cast %parallel_loop3A_243 : vector<1x16xf32> to vector<16xf32>
        %parallel_loop3A_245 = arith.maximumf %parallel_loop3A_236, %parallel_loop3A_244 : vector<16xf32>
        %parallel_loop3A_246 = arith.index_cast %parallel_loop3A_110 : i32 to index
        %parallel_loop3A_247 = arith.constant 96 : index
        %parallel_loop3A_248 = tpu.vector_load %arg7[%parallel_loop3A_246, %parallel_loop3A_247] {strides = array<i32>} : memref<112x128xf32, #tpu.memory_space<vmem>>, vector<1x16xf32>,
        %parallel_loop3A_249 = vector.shape_cast %parallel_loop3A_248 : vector<1x16xf32> to vector<16xf32>
        %parallel_loop3A_250 = vector.shape_cast %parallel_loop3A_245 : vector<16xf32> to vector<1x16xf32>
        tpu.vector_store %arg7[%parallel_loop3A_246, %parallel_loop3A_247], %parallel_loop3A_250 {strides = array<i32>} : memref<112x128xf32, #tpu.memory_space<vmem>>, vector<1x16xf32>,
        %parallel_loop3A_251 = arith.constant 2 : i32
        %parallel_loop3A_252 = arith.muli %parallel_loop3A_251, %parallel_loop3A_110 : i32
        %parallel_loop3A_253 = arith.index_cast %parallel_loop3A_252 : i32 to index
        %parallel_loop3A_254 = arith.constant 112 : index
        %parallel_loop3A_255 = tpu.vector_load %arg5[%parallel_loop3A_253, %parallel_loop3A_254] {strides = array<i32>} : memref<224x128xf32, #tpu.memory_space<vmem>>, vector<1x16xf32>,
        %parallel_loop3A_256 = vector.shape_cast %parallel_loop3A_255 : vector<1x16xf32> to vector<16xf32>
        %parallel_loop3A_257 = arith.constant 2 : i32
        %parallel_loop3A_258 = arith.muli %parallel_loop3A_257, %parallel_loop3A_110 : i32
        %parallel_loop3A_259 = arith.constant 1 : i32
        %parallel_loop3A_260 = arith.addi %parallel_loop3A_258, %parallel_loop3A_259 : i32
        %parallel_loop3A_261 = arith.index_cast %parallel_loop3A_260 : i32 to index
        %parallel_loop3A_262 = arith.constant 112 : index
        %parallel_loop3A_263 = tpu.vector_load %arg5[%parallel_loop3A_261, %parallel_loop3A_262] {strides = array<i32>} : memref<224x128xf32, #tpu.memory_space<vmem>>, vector<1x16xf32>,
        %parallel_loop3A_264 = vector.shape_cast %parallel_loop3A_263 : vector<1x16xf32> to vector<16xf32>
        %parallel_loop3A_265 = arith.maximumf %parallel_loop3A_256, %parallel_loop3A_264 : vector<16xf32>
        %parallel_loop3A_266 = arith.index_cast %parallel_loop3A_110 : i32 to index
        %parallel_loop3A_267 = arith.constant 112 : index
        %parallel_loop3A_268 = tpu.vector_load %arg7[%parallel_loop3A_266, %parallel_loop3A_267] {strides = array<i32>} : memref<112x128xf32, #tpu.memory_space<vmem>>, vector<1x16xf32>,
        %parallel_loop3A_269 = vector.shape_cast %parallel_loop3A_268 : vector<1x16xf32> to vector<16xf32>
        %parallel_loop3A_270 = vector.shape_cast %parallel_loop3A_265 : vector<16xf32> to vector<1x16xf32>
        tpu.vector_store %arg7[%parallel_loop3A_266, %parallel_loop3A_267], %parallel_loop3A_270 {strides = array<i32>} : memref<112x128xf32, #tpu.memory_space<vmem>>, vector<1x16xf32>,
      } {sc.loop_unroll_factor = 4 : i64, sc.parallel_access}
      %mul3A_102 = arith.constant 112 : i32
      %mul3A_103 = arith.muli %add3A_80, %mul3A_102 : i32
      %add3A_104 = arith.addi %mul3A_2, %mul3A_103 : i32
      %dma_start3A_105 = arith.constant 0 : i32
      %dma_start3A_106 = tpu.memref_slice %arg3[%add3A_104, %dma_start3A_105] : memref<25088x128xf32, #tpu.memory_space<hbm>> -> memref<112x128xf32, #tpu.memory_space<hbm>>
      %dma_start3A_107 = arith.constant 0 : i32
      %dma_start3A_108 = tpu.memref_slice %arg3[%add3A_104, %dma_start3A_107] : memref<25088x128xf32, #tpu.memory_space<hbm>> -> memref<112x128xf32, #tpu.memory_space<hbm>>
      tpu.enqueue_dma source(%arg7 : memref<112x128xf32, #tpu.memory_space<vmem>>) target(%dma_start3A_108 : memref<112x128xf32, #tpu.memory_space<hbm>>) target_semaphore(%arg11 : memref<!tpu.dma_semaphore, #tpu.memory_space<semaphore_mem>>)
      %scan3A_109 = arith.constant 0 : i32
      scf.yield %scan3A_109 : i32
    }
    %scan3A_15 = arith.constant 3 : i32
    %dma_wait3A = arith.constant 0 : i32
    %dma_wait3A_16 = arith.constant 0 : i32
    %dma_wait3A_17 = tpu.memref_slice %arg2[%dma_wait3A, %dma_wait3A_16] : memref<200704x128xf32, #tpu.memory_space<hbm>> -> memref<224x128xf32, #tpu.memory_space<hbm>>
    %dma_wait3A_18 = arith.constant 0 : i32
    %dma_wait3A_19 = arith.constant 0 : i32
    %dma_wait3A_20 = tpu.memref_slice %arg2[%dma_wait3A_18, %dma_wait3A_19] : memref<200704x128xf32, #tpu.memory_space<hbm>> -> memref<224x128xf32, #tpu.memory_space<hbm>>
    tpu.wait_dma2 semaphore(%arg8 : memref<!tpu.dma_semaphore, #tpu.memory_space<semaphore_mem>>) src(%dma_wait3A_20 : memref<224x128xf32, #tpu.memory_space<hbm>>) dst(%arg4 : memref<224x128xf32, #tpu.memory_space<vmem>>)
    %dma_wait3A_21 = arith.constant 0 : i32
    %dma_wait3A_22 = arith.constant 0 : i32
    %dma_wait3A_23 = tpu.memref_slice %arg3[%dma_wait3A_21, %dma_wait3A_22] : memref<25088x128xf32, #tpu.memory_space<hbm>> -> memref<112x128xf32, #tpu.memory_space<hbm>>
    %dma_wait3A_24 = arith.constant 0 : i32
    %dma_wait3A_25 = arith.constant 0 : i32
    %dma_wait3A_26 = tpu.memref_slice %arg3[%dma_wait3A_24, %dma_wait3A_25] : memref<25088x128xf32, #tpu.memory_space<hbm>> -> memref<112x128xf32, #tpu.memory_space<hbm>>
    tpu.wait_dma2 semaphore(%arg10 : memref<!tpu.dma_semaphore, #tpu.memory_space<semaphore_mem>>) src(%arg6 : memref<112x128xf32, #tpu.memory_space<vmem>>) dst(%dma_wait3A_26 : memref<112x128xf32, #tpu.memory_space<hbm>>)
    %parallel_loop3A = arith.constant 0 : i32
    %parallel_loop3A_27 = arith.constant 112 : i32
    %parallel_loop3A_28 = arith.constant 1 : i32
    scf.for %parallel_loop3A_47 = %parallel_loop3A to %parallel_loop3A_27 step %parallel_loop3A_28  : i32 {
      %parallel_loop3A_48 = arith.constant 2 : i32
      %parallel_loop3A_49 = arith.muli %parallel_loop3A_48, %parallel_loop3A_47 : i32
      %parallel_loop3A_50 = arith.index_cast %parallel_loop3A_49 : i32 to index
      %parallel_loop3A_51 = arith.constant 0 : index
      %parallel_loop3A_52 = tpu.vector_load %arg4[%parallel_loop3A_50, %parallel_loop3A_51] {strides = array<i32>} : memref<224x128xf32, #tpu.memory_space<vmem>>, vector<1x16xf32>,
      %parallel_loop3A_53 = vector.shape_cast %parallel_loop3A_52 : vector<1x16xf32> to vector<16xf32>
      %parallel_loop3A_54 = arith.constant 2 : i32
      %parallel_loop3A_55 = arith.muli %parallel_loop3A_54, %parallel_loop3A_47 : i32
      %parallel_loop3A_56 = arith.constant 1 : i32
      %parallel_loop3A_57 = arith.addi %parallel_loop3A_55, %parallel_loop3A_56 : i32
      %parallel_loop3A_58 = arith.index_cast %parallel_loop3A_57 : i32 to index
      %parallel_loop3A_59 = arith.constant 0 : index
      %parallel_loop3A_60 = tpu.vector_load %arg4[%parallel_loop3A_58, %parallel_loop3A_59] {strides = array<i32>} : memref<224x128xf32, #tpu.memory_space<vmem>>, vector<1x16xf32>,
      %parallel_loop3A_61 = vector.shape_cast %parallel_loop3A_60 : vector<1x16xf32> to vector<16xf32>
      %parallel_loop3A_62 = arith.maximumf %parallel_loop3A_53, %parallel_loop3A_61 : vector<16xf32>
      %parallel_loop3A_63 = arith.index_cast %parallel_loop3A_47 : i32 to index
      %parallel_loop3A_64 = arith.constant 0 : index
      %parallel_loop3A_65 = tpu.vector_load %arg6[%parallel_loop3A_63, %parallel_loop3A_64] {strides = array<i32>} : memref<112x128xf32, #tpu.memory_space<vmem>>, vector<1x16xf32>,
      %parallel_loop3A_66 = vector.shape_cast %parallel_loop3A_65 : vector<1x16xf32> to vector<16xf32>
      %parallel_loop3A_67 = vector.shape_cast %parallel_loop3A_62 : vector<16xf32> to vector<1x16xf32>
      tpu.vector_store %arg6[%parallel_loop3A_63, %parallel_loop3A_64], %parallel_loop3A_67 {strides = array<i32>} : memref<112x128xf32, #tpu.memory_space<vmem>>, vector<1x16xf32>,
      %parallel_loop3A_68 = arith.constant 2 : i32
      %parallel_loop3A_69 = arith.muli %parallel_loop3A_68, %parallel_loop3A_47 : i32
      %parallel_loop3A_70 = arith.index_cast %parallel_loop3A_69 : i32 to index
      %parallel_loop3A_71 = arith.constant 16 : index
      %parallel_loop3A_72 = tpu.vector_load %arg4[%parallel_loop3A_70, %parallel_loop3A_71] {strides = array<i32>} : memref<224x128xf32, #tpu.memory_space<vmem>>, vector<1x16xf32>,
      %parallel_loop3A_73 = vector.shape_cast %parallel_loop3A_72 : vector<1x16xf32> to vector<16xf32>
      %parallel_loop3A_74 = arith.constant 2 : i32
      %parallel_loop3A_75 = arith.muli %parallel_loop3A_74, %parallel_loop3A_47 : i32
      %parallel_loop3A_76 = arith.constant 1 : i32
      %parallel_loop3A_77 = arith.addi %parallel_loop3A_75, %parallel_loop3A_76 : i32
      %parallel_loop3A_78 = arith.index_cast %parallel_loop3A_77 : i32 to index
      %parallel_loop3A_79 = arith.constant 16 : index
      %parallel_loop3A_80 = tpu.vector_load %arg4[%parallel_loop3A_78, %parallel_loop3A_79] {strides = array<i32>} : memref<224x128xf32, #tpu.memory_space<vmem>>, vector<1x16xf32>,
      %parallel_loop3A_81 = vector.shape_cast %parallel_loop3A_80 : vector<1x16xf32> to vector<16xf32>
      %parallel_loop3A_82 = arith.maximumf %parallel_loop3A_73, %parallel_loop3A_81 : vector<16xf32>
      %parallel_loop3A_83 = arith.index_cast %parallel_loop3A_47 : i32 to index
      %parallel_loop3A_84 = arith.constant 16 : index
      %parallel_loop3A_85 = tpu.vector_load %arg6[%parallel_loop3A_83, %parallel_loop3A_84] {strides = array<i32>} : memref<112x128xf32, #tpu.memory_space<vmem>>, vector<1x16xf32>,
      %parallel_loop3A_86 = vector.shape_cast %parallel_loop3A_85 : vector<1x16xf32> to vector<16xf32>
      %parallel_loop3A_87 = vector.shape_cast %parallel_loop3A_82 : vector<16xf32> to vector<1x16xf32>
      tpu.vector_store %arg6[%parallel_loop3A_83, %parallel_loop3A_84], %parallel_loop3A_87 {strides = array<i32>} : memref<112x128xf32, #tpu.memory_space<vmem>>, vector<1x16xf32>,
      %parallel_loop3A_88 = arith.constant 2 : i32
      %parallel_loop3A_89 = arith.muli %parallel_loop3A_88, %parallel_loop3A_47 : i32
      %parallel_loop3A_90 = arith.index_cast %parallel_loop3A_89 : i32 to index
      %parallel_loop3A_91 = arith.constant 32 : index
      %parallel_loop3A_92 = tpu.vector_load %arg4[%parallel_loop3A_90, %parallel_loop3A_91] {strides = array<i32>} : memref<224x128xf32, #tpu.memory_space<vmem>>, vector<1x16xf32>,
      %parallel_loop3A_93 = vector.shape_cast %parallel_loop3A_92 : vector<1x16xf32> to vector<16xf32>
      %parallel_loop3A_94 = arith.constant 2 : i32
      %parallel_loop3A_95 = arith.muli %parallel_loop3A_94, %parallel_loop3A_47 : i32
      %parallel_loop3A_96 = arith.constant 1 : i32
      %parallel_loop3A_97 = arith.addi %parallel_loop3A_95, %parallel_loop3A_96 : i32
      %parallel_loop3A_98 = arith.index_cast %parallel_loop3A_97 : i32 to index
      %parallel_loop3A_99 = arith.constant 32 : index
      %parallel_loop3A_100 = tpu.vector_load %arg4[%parallel_loop3A_98, %parallel_loop3A_99] {strides = array<i32>} : memref<224x128xf32, #tpu.memory_space<vmem>>, vector<1x16xf32>,
      %parallel_loop3A_101 = vector.shape_cast %parallel_loop3A_100 : vector<1x16xf32> to vector<16xf32>
      %parallel_loop3A_102 = arith.maximumf %parallel_loop3A_93, %parallel_loop3A_101 : vector<16xf32>
      %parallel_loop3A_103 = arith.index_cast %parallel_loop3A_47 : i32 to index
      %parallel_loop3A_104 = arith.constant 32 : index
      %parallel_loop3A_105 = tpu.vector_load %arg6[%parallel_loop3A_103, %parallel_loop3A_104] {strides = array<i32>} : memref<112x128xf32, #tpu.memory_space<vmem>>, vector<1x16xf32>,
      %parallel_loop3A_106 = vector.shape_cast %parallel_loop3A_105 : vector<1x16xf32> to vector<16xf32>
      %parallel_loop3A_107 = vector.shape_cast %parallel_loop3A_102 : vector<16xf32> to vector<1x16xf32>
      tpu.vector_store %arg6[%parallel_loop3A_103, %parallel_loop3A_104], %parallel_loop3A_107 {strides = array<i32>} : memref<112x128xf32, #tpu.memory_space<vmem>>, vector<1x16xf32>,
      %parallel_loop3A_108 = arith.constant 2 : i32
      %parallel_loop3A_109 = arith.muli %parallel_loop3A_108, %parallel_loop3A_47 : i32
      %parallel_loop3A_110 = arith.index_cast %parallel_loop3A_109 : i32 to index
      %parallel_loop3A_111 = arith.constant 48 : index
      %parallel_loop3A_112 = tpu.vector_load %arg4[%parallel_loop3A_110, %parallel_loop3A_111] {strides = array<i32>} : memref<224x128xf32, #tpu.memory_space<vmem>>, vector<1x16xf32>,
      %parallel_loop3A_113 = vector.shape_cast %parallel_loop3A_112 : vector<1x16xf32> to vector<16xf32>
      %parallel_loop3A_114 = arith.constant 2 : i32
      %parallel_loop3A_115 = arith.muli %parallel_loop3A_114, %parallel_loop3A_47 : i32
      %parallel_loop3A_116 = arith.constant 1 : i32
      %parallel_loop3A_117 = arith.addi %parallel_loop3A_115, %parallel_loop3A_116 : i32
      %parallel_loop3A_118 = arith.index_cast %parallel_loop3A_117 : i32 to index
      %parallel_loop3A_119 = arith.constant 48 : index
      %parallel_loop3A_120 = tpu.vector_load %arg4[%parallel_loop3A_118, %parallel_loop3A_119] {strides = array<i32>} : memref<224x128xf32, #tpu.memory_space<vmem>>, vector<1x16xf32>,
      %parallel_loop3A_121 = vector.shape_cast %parallel_loop3A_120 : vector<1x16xf32> to vector<16xf32>
      %parallel_loop3A_122 = arith.maximumf %parallel_loop3A_113, %parallel_loop3A_121 : vector<16xf32>
      %parallel_loop3A_123 = arith.index_cast %parallel_loop3A_47 : i32 to index
      %parallel_loop3A_124 = arith.constant 48 : index
      %parallel_loop3A_125 = tpu.vector_load %arg6[%parallel_loop3A_123, %parallel_loop3A_124] {strides = array<i32>} : memref<112x128xf32, #tpu.memory_space<vmem>>, vector<1x16xf32>,
      %parallel_loop3A_126 = vector.shape_cast %parallel_loop3A_125 : vector<1x16xf32> to vector<16xf32>
      %parallel_loop3A_127 = vector.shape_cast %parallel_loop3A_122 : vector<16xf32> to vector<1x16xf32>
      tpu.vector_store %arg6[%parallel_loop3A_123, %parallel_loop3A_124], %parallel_loop3A_127 {strides = array<i32>} : memref<112x128xf32, #tpu.memory_space<vmem>>, vector<1x16xf32>,
      %parallel_loop3A_128 = arith.constant 2 : i32
      %parallel_loop3A_129 = arith.muli %parallel_loop3A_128, %parallel_loop3A_47 : i32
      %parallel_loop3A_130 = arith.index_cast %parallel_loop3A_129 : i32 to index
      %parallel_loop3A_131 = arith.constant 64 : index
      %parallel_loop3A_132 = tpu.vector_load %arg4[%parallel_loop3A_130, %parallel_loop3A_131] {strides = array<i32>} : memref<224x128xf32, #tpu.memory_space<vmem>>, vector<1x16xf32>,
      %parallel_loop3A_133 = vector.shape_cast %parallel_loop3A_132 : vector<1x16xf32> to vector<16xf32>
      %parallel_loop3A_134 = arith.constant 2 : i32
      %parallel_loop3A_135 = arith.muli %parallel_loop3A_134, %parallel_loop3A_47 : i32
      %parallel_loop3A_136 = arith.constant 1 : i32
      %parallel_loop3A_137 = arith.addi %parallel_loop3A_135, %parallel_loop3A_136 : i32
      %parallel_loop3A_138 = arith.index_cast %parallel_loop3A_137 : i32 to index
      %parallel_loop3A_139 = arith.constant 64 : index
      %parallel_loop3A_140 = tpu.vector_load %arg4[%parallel_loop3A_138, %parallel_loop3A_139] {strides = array<i32>} : memref<224x128xf32, #tpu.memory_space<vmem>>, vector<1x16xf32>,
      %parallel_loop3A_141 = vector.shape_cast %parallel_loop3A_140 : vector<1x16xf32> to vector<16xf32>
      %parallel_loop3A_142 = arith.maximumf %parallel_loop3A_133, %parallel_loop3A_141 : vector<16xf32>
      %parallel_loop3A_143 = arith.index_cast %parallel_loop3A_47 : i32 to index
      %parallel_loop3A_144 = arith.constant 64 : index
      %parallel_loop3A_145 = tpu.vector_load %arg6[%parallel_loop3A_143, %parallel_loop3A_144] {strides = array<i32>} : memref<112x128xf32, #tpu.memory_space<vmem>>, vector<1x16xf32>,
      %parallel_loop3A_146 = vector.shape_cast %parallel_loop3A_145 : vector<1x16xf32> to vector<16xf32>
      %parallel_loop3A_147 = vector.shape_cast %parallel_loop3A_142 : vector<16xf32> to vector<1x16xf32>
      tpu.vector_store %arg6[%parallel_loop3A_143, %parallel_loop3A_144], %parallel_loop3A_147 {strides = array<i32>} : memref<112x128xf32, #tpu.memory_space<vmem>>, vector<1x16xf32>,
      %parallel_loop3A_148 = arith.constant 2 : i32
      %parallel_loop3A_149 = arith.muli %parallel_loop3A_148, %parallel_loop3A_47 : i32
      %parallel_loop3A_150 = arith.index_cast %parallel_loop3A_149 : i32 to index
      %parallel_loop3A_151 = arith.constant 80 : index
      %parallel_loop3A_152 = tpu.vector_load %arg4[%parallel_loop3A_150, %parallel_loop3A_151] {strides = array<i32>} : memref<224x128xf32, #tpu.memory_space<vmem>>, vector<1x16xf32>,
      %parallel_loop3A_153 = vector.shape_cast %parallel_loop3A_152 : vector<1x16xf32> to vector<16xf32>
      %parallel_loop3A_154 = arith.constant 2 : i32
      %parallel_loop3A_155 = arith.muli %parallel_loop3A_154, %parallel_loop3A_47 : i32
      %parallel_loop3A_156 = arith.constant 1 : i32
      %parallel_loop3A_157 = arith.addi %parallel_loop3A_155, %parallel_loop3A_156 : i32
      %parallel_loop3A_158 = arith.index_cast %parallel_loop3A_157 : i32 to index
      %parallel_loop3A_159 = arith.constant 80 : index
      %parallel_loop3A_160 = tpu.vector_load %arg4[%parallel_loop3A_158, %parallel_loop3A_159] {strides = array<i32>} : memref<224x128xf32, #tpu.memory_space<vmem>>, vector<1x16xf32>,
      %parallel_loop3A_161 = vector.shape_cast %parallel_loop3A_160 : vector<1x16xf32> to vector<16xf32>
      %parallel_loop3A_162 = arith.maximumf %parallel_loop3A_153, %parallel_loop3A_161 : vector<16xf32>
      %parallel_loop3A_163 = arith.index_cast %parallel_loop3A_47 : i32 to index
      %parallel_loop3A_164 = arith.constant 80 : index
      %parallel_loop3A_165 = tpu.vector_load %arg6[%parallel_loop3A_163, %parallel_loop3A_164] {strides = array<i32>} : memref<112x128xf32, #tpu.memory_space<vmem>>, vector<1x16xf32>,
      %parallel_loop3A_166 = vector.shape_cast %parallel_loop3A_165 : vector<1x16xf32> to vector<16xf32>
      %parallel_loop3A_167 = vector.shape_cast %parallel_loop3A_162 : vector<16xf32> to vector<1x16xf32>
      tpu.vector_store %arg6[%parallel_loop3A_163, %parallel_loop3A_164], %parallel_loop3A_167 {strides = array<i32>} : memref<112x128xf32, #tpu.memory_space<vmem>>, vector<1x16xf32>,
      %parallel_loop3A_168 = arith.constant 2 : i32
      %parallel_loop3A_169 = arith.muli %parallel_loop3A_168, %parallel_loop3A_47 : i32
      %parallel_loop3A_170 = arith.index_cast %parallel_loop3A_169 : i32 to index
      %parallel_loop3A_171 = arith.constant 96 : index
      %parallel_loop3A_172 = tpu.vector_load %arg4[%parallel_loop3A_170, %parallel_loop3A_171] {strides = array<i32>} : memref<224x128xf32, #tpu.memory_space<vmem>>, vector<1x16xf32>,
      %parallel_loop3A_173 = vector.shape_cast %parallel_loop3A_172 : vector<1x16xf32> to vector<16xf32>
      %parallel_loop3A_174 = arith.constant 2 : i32
      %parallel_loop3A_175 = arith.muli %parallel_loop3A_174, %parallel_loop3A_47 : i32
      %parallel_loop3A_176 = arith.constant 1 : i32
      %parallel_loop3A_177 = arith.addi %parallel_loop3A_175, %parallel_loop3A_176 : i32
      %parallel_loop3A_178 = arith.index_cast %parallel_loop3A_177 : i32 to index
      %parallel_loop3A_179 = arith.constant 96 : index
      %parallel_loop3A_180 = tpu.vector_load %arg4[%parallel_loop3A_178, %parallel_loop3A_179] {strides = array<i32>} : memref<224x128xf32, #tpu.memory_space<vmem>>, vector<1x16xf32>,
      %parallel_loop3A_181 = vector.shape_cast %parallel_loop3A_180 : vector<1x16xf32> to vector<16xf32>
      %parallel_loop3A_182 = arith.maximumf %parallel_loop3A_173, %parallel_loop3A_181 : vector<16xf32>
      %parallel_loop3A_183 = arith.index_cast %parallel_loop3A_47 : i32 to index
      %parallel_loop3A_184 = arith.constant 96 : index
      %parallel_loop3A_185 = tpu.vector_load %arg6[%parallel_loop3A_183, %parallel_loop3A_184] {strides = array<i32>} : memref<112x128xf32, #tpu.memory_space<vmem>>, vector<1x16xf32>,
      %parallel_loop3A_186 = vector.shape_cast %parallel_loop3A_185 : vector<1x16xf32> to vector<16xf32>
      %parallel_loop3A_187 = vector.shape_cast %parallel_loop3A_182 : vector<16xf32> to vector<1x16xf32>
      tpu.vector_store %arg6[%parallel_loop3A_183, %parallel_loop3A_184], %parallel_loop3A_187 {strides = array<i32>} : memref<112x128xf32, #tpu.memory_space<vmem>>, vector<1x16xf32>,
      %parallel_loop3A_188 = arith.constant 2 : i32
      %parallel_loop3A_189 = arith.muli %parallel_loop3A_188, %parallel_loop3A_47 : i32
      %parallel_loop3A_190 = arith.index_cast %parallel_loop3A_189 : i32 to index
      %parallel_loop3A_191 = arith.constant 112 : index
      %parallel_loop3A_192 = tpu.vector_load %arg4[%parallel_loop3A_190, %parallel_loop3A_191] {strides = array<i32>} : memref<224x128xf32, #tpu.memory_space<vmem>>, vector<1x16xf32>,
      %parallel_loop3A_193 = vector.shape_cast %parallel_loop3A_192 : vector<1x16xf32> to vector<16xf32>
      %parallel_loop3A_194 = arith.constant 2 : i32
      %parallel_loop3A_195 = arith.muli %parallel_loop3A_194, %parallel_loop3A_47 : i32
      %parallel_loop3A_196 = arith.constant 1 : i32
      %parallel_loop3A_197 = arith.addi %parallel_loop3A_195, %parallel_loop3A_196 : i32
      %parallel_loop3A_198 = arith.index_cast %parallel_loop3A_197 : i32 to index
      %parallel_loop3A_199 = arith.constant 112 : index
      %parallel_loop3A_200 = tpu.vector_load %arg4[%parallel_loop3A_198, %parallel_loop3A_199] {strides = array<i32>} : memref<224x128xf32, #tpu.memory_space<vmem>>, vector<1x16xf32>,
      %parallel_loop3A_201 = vector.shape_cast %parallel_loop3A_200 : vector<1x16xf32> to vector<16xf32>
      %parallel_loop3A_202 = arith.maximumf %parallel_loop3A_193, %parallel_loop3A_201 : vector<16xf32>
      %parallel_loop3A_203 = arith.index_cast %parallel_loop3A_47 : i32 to index
      %parallel_loop3A_204 = arith.constant 112 : index
      %parallel_loop3A_205 = tpu.vector_load %arg6[%parallel_loop3A_203, %parallel_loop3A_204] {strides = array<i32>} : memref<112x128xf32, #tpu.memory_space<vmem>>, vector<1x16xf32>,
      %parallel_loop3A_206 = vector.shape_cast %parallel_loop3A_205 : vector<1x16xf32> to vector<16xf32>
      %parallel_loop3A_207 = vector.shape_cast %parallel_loop3A_202 : vector<16xf32> to vector<1x16xf32>
      tpu.vector_store %arg6[%parallel_loop3A_203, %parallel_loop3A_204], %parallel_loop3A_207 {strides = array<i32>} : memref<112x128xf32, #tpu.memory_space<vmem>>, vector<1x16xf32>,
    } {sc.loop_unroll_factor = 4 : i64, sc.parallel_access}
    %add3A_29 = arith.constant 672 : i32
    %add3A_30 = arith.addi %mul3A_2, %add3A_29 : i32
    %dma_start3A_31 = arith.constant 0 : i32
    %dma_start3A_32 = tpu.memref_slice %arg3[%add3A_30, %dma_start3A_31] : memref<25088x128xf32, #tpu.memory_space<hbm>> -> memref<112x128xf32, #tpu.memory_space<hbm>>
    %dma_start3A_33 = arith.constant 0 : i32
    %dma_start3A_34 = tpu.memref_slice %arg3[%add3A_30, %dma_start3A_33] : memref<25088x128xf32, #tpu.memory_space<hbm>> -> memref<112x128xf32, #tpu.memory_space<hbm>>
    tpu.enqueue_dma source(%arg6 : memref<112x128xf32, #tpu.memory_space<vmem>>) target(%dma_start3A_34 : memref<112x128xf32, #tpu.memory_space<hbm>>) target_semaphore(%arg10 : memref<!tpu.dma_semaphore, #tpu.memory_space<semaphore_mem>>)
    %dma_wait3A_35 = arith.constant 0 : i32
    %dma_wait3A_36 = arith.constant 0 : i32
    %dma_wait3A_37 = tpu.memref_slice %arg3[%dma_wait3A_35, %dma_wait3A_36] : memref<25088x128xf32, #tpu.memory_space<hbm>> -> memref<112x128xf32, #tpu.memory_space<hbm>>
    %dma_wait3A_38 = arith.constant 0 : i32
    %dma_wait3A_39 = arith.constant 0 : i32
    %dma_wait3A_40 = tpu.memref_slice %arg3[%dma_wait3A_38, %dma_wait3A_39] : memref<25088x128xf32, #tpu.memory_space<hbm>> -> memref<112x128xf32, #tpu.memory_space<hbm>>
    tpu.wait_dma2 semaphore(%arg10 : memref<!tpu.dma_semaphore, #tpu.memory_space<semaphore_mem>>) src(%arg6 : memref<112x128xf32, #tpu.memory_space<vmem>>) dst(%dma_wait3A_40 : memref<112x128xf32, #tpu.memory_space<hbm>>)
    %dma_wait3A_41 = arith.constant 0 : i32
    %dma_wait3A_42 = arith.constant 0 : i32
    %dma_wait3A_43 = tpu.memref_slice %arg3[%dma_wait3A_41, %dma_wait3A_42] : memref<25088x128xf32, #tpu.memory_space<hbm>> -> memref<112x128xf32, #tpu.memory_space<hbm>>
    %dma_wait3A_44 = arith.constant 0 : i32
    %dma_wait3A_45 = arith.constant 0 : i32
    %dma_wait3A_46 = tpu.memref_slice %arg3[%dma_wait3A_44, %dma_wait3A_45] : memref<25088x128xf32, #tpu.memory_space<hbm>> -> memref<112x128xf32, #tpu.memory_space<hbm>>
    tpu.wait_dma2 semaphore(%arg11 : memref<!tpu.dma_semaphore, #tpu.memory_space<semaphore_mem>>) src(%arg7 : memref<112x128xf32, #tpu.memory_space<vmem>>) dst(%dma_wait3A_46 : memref<112x128xf32, #tpu.memory_space<hbm>>)
    return
  }
}

module attributes {stable_mosaic.version = 14 : i64} {
  func.func @_tc_body(%arg0: i32, %arg1: memref<12544x128xf32, #tpu.memory_space<vmem>>, %arg2: memref<6272x128xf32, #tpu.memory_space<vmem>>) attributes {dimension_semantics = [#tpu.dimension_semantics<arbitrary>], iteration_bounds = array<i64: 12>, scalar_prefetch = 0 : i64, scratch_operands = 0 : i64, tpu.core_type = #tpu.core_type<tc>, window_params = [{transform_indices = @transform_0, window_bounds = array<i64: 12544, 128>}, {transform_indices = @transform_1, window_bounds = array<i64: 6272, 128>}]} {
    %get3A = arith.constant 0 : index
    %get3A_0 = arith.constant 0 : index
    %get3A_1 = tpu.strided_load %arg1[%get3A, %get3A_0] {strides = array<i32: 2, 1>} : memref<12544x128xf32, #tpu.memory_space<vmem>>, vector<6272x128xf32>
    %get3A_2 = arith.constant 1 : index
    %get3A_3 = arith.constant 0 : index
    %get3A_4 = tpu.strided_load %arg1[%get3A_2, %get3A_3] {strides = array<i32: 2, 1>} : memref<12544x128xf32, #tpu.memory_space<vmem>>, vector<6272x128xf32>
    %max3A = arith.maximumf %get3A_1, %get3A_4 : vector<6272x128xf32>
    %swap3A = arith.constant 0 : index
    %swap3A_5 = arith.constant 0 : index
    %swap3A_6 = vector.load %arg2[%swap3A, %swap3A_5] : memref<6272x128xf32, #tpu.memory_space<vmem>>, vector<6272x128xf32>
    tpu.vector_store %arg2[%swap3A, %swap3A_5], %max3A {strides = array<i32>} : memref<6272x128xf32, #tpu.memory_space<vmem>>, vector<6272x128xf32>,
    return
  }
  func.func @transform_0(%arg0: i32) -> (i32, i32) {
    %add3A = arith.constant 4 : i32
    %add3A_0 = arith.addi %arg0, %add3A : i32
    %c0_i32 = arith.constant 0 : i32
    %c0_i32_1 = arith.constant 0 : i32
    return %add3A_0, %c0_i32 : i32, i32
  }
  func.func @transform_1(%arg0: i32) -> (i32, i32) {
    %add3A = arith.constant 4 : i32
    %add3A_0 = arith.addi %arg0, %add3A : i32
    %c0_i32 = arith.constant 0 : i32
    %c0_i32_1 = arith.constant 0 : i32
    return %add3A_0, %c0_i32 : i32, i32
  }
}

</mosaic_0001>

<sc_bundles>
// kernel: kernel.4.cloned.1.call-start
scs
__scs_entry_jumppad:
0x0: {  	(pc) =	sbr.rel $0x88, $3  }
0x1: {  	(tag) =	ssettag $0x0;
	lr =	simm.s32 $0x1  }
0x2: {  	[smem:$0x3FA0] =	sst lr;
	_ =	strace $0xD0000000  }
0x3: {  	_ = 	snop  }
0x4: {  	_ = 	snop  }
0x5: {  	_ = 	snop  }
0x6: {  	_ = 	snop  }
0x7: {  	_ = 	snop  }
__scs_overlays_trampoline_lowered:
0x8: {  	[smem:$0x3FAF] =	sst s0  }
0x9: {  	[smem:$0x3FB0] =	sst s1  }
0xa: {  	[smem:$0x3FB1] =	sst s2  }
0xb: {  	[smem:$0x3FB2] =	sst s3  }
0xc: {  	[smem:$0x3FB3] =	sst s4  }
0xd: {  	[smem:$0x3FB4] =	sst s5  }
0xe: {  	[smem:$0x3FB5] =	sst s6  }
0xf: {  	[smem:$0x3FB6] =	sst s7  }
0x10: {  	[smem:$0x3FB7] =	sst s8  }
0x11: {  	[smem:$0x3FB8] =	sst s9;
	s0 =	simm.s32 @!p0 $0x0  }
0x12: {  	s1 =	sld [smem:$0x3F9E];
	s0 =	simm.s32 @p0 $0x1  }
0x13: {  	[smem:$0x3FB9] =	sst s0;
	s0 =	simm.s32 @!p1 $0x0  }
0x14: {  	s2 =	sld [smem:$0x3F9D];
	s0 =	simm.s32 @p1 $0x1  }
0x15: {  	[smem:$0x3FBA] =	sst s0;
	s0 =	simm.s32 @!p2 $0x0  }
0x16: {  	s3 =	sld [smem:$0x3FDB];
	s0 =	simm.s32 @p2 $0x1  }
0x17: {  	s4 =	simm.s32 $0x1BF5;
	[smem:$0x3FBC] =	sst s0  }
0x18: {  	s0 =	sld [smem:$0x3F9F];
	_ =	swait.ge [sflag:s4], $0x0  }
0x19: {  	s7 =	sld [smem:$0x3FA0]  }
0x1a: {  	s8 =	sadd.s32 $0xFFFFE003, lr  }
0x1b: {  	s9 =	sadd.s32 $0xFFFFFEF7, lr;
	s5 =	simm.s32 $0xFFFFFFFF;
	p2 =	slt.u32 s8, $0xFFFFF086  }
0x1c: {  	p1 =	slt.u32 s9, $0xF7A;
	s5 =	simm.s32 @!p2 $0x0  }
0x1d: {  	s5 =	simm.s32 @p1 $0x1;
	p0 =	seq.s32 s7, s2  }
0x1e: {  	s7 =	smul.u32 @!p0 $0xF7A, s2;
	p2 =	seq.s32 @!p0 s5, $0x0  }
0x1f: {  	s9 =	smul.u32 $0xF7A, s1;
	s8 =	simm.s32 @!p0 $0x1BF5;
	p2 =	por !p2, p0  }
0x20: {  	[sflag:s8] =	ssyncset.s32 @!p0 $0xFFFFF086;
	s6 =	sadd.s32 @!p0 s3, s7;
	s7 =	simm.s32 @!p0 $0x108  }
0x21: {  	s3 =	sadd.s32 s3, s9;
	s6 =	sadd.s32 @!p0 $0x88, s6;
	s7 =	simm.s32 @p2 $0x1082  }
0x22: {  	[simem:s7], [sflag:s8] =	dma.local @!p0 [hbm:s6], $0xF7A  }
0x23: {  	s9 =	sor.u32 $0xD0000000, s2;
	s6 =	simm.s32 $0x108;
	_ =	swait.ge @!p0 [sflag:s8], $0x0  }
0x24: {  	s3 =	sadd.s32 $0x88, s3;
	s6 =	simm.s32 @!p1 $0x1082;
	[sflag:s4] =	ssyncset.s32 $0xFFFFF086  }
0x25: {  	[simem:s6], [sflag:s4] =	dma.local [hbm:s3], $0xF7A  }
0x26: {  	[smem:$0x3FA0] =	sst s1;
	(tag) =	ssettag s2;
	_ =	strace s9  }
0x27: {  	s1 =	sld [smem:$0x3FB0]  }
0x28: {  	s2 =	sld [smem:$0x3FB1]  }
0x29: {  	s4 =	sld [smem:$0x3FB3]  }
0x2a: {  	p0 =	seq.s32 s5, $0x0;
	s5 =	sld [smem:$0x3FB4]  }
0x2b: {  	s6 =	sld [smem:$0x3FB5]  }
0x2c: {  	s7 =	sld [smem:$0x3FB6]  }
0x2d: {  	s3 =	simm.s32 $0x108;
	s8 =	sld [smem:$0x3FB7]  }
0x2e: {  	s3 =	simm.s32 @!p0 $0x1082;
	s9 =	sld [smem:$0x3FB8]  }
0x2f: {  	lr =	sadd.s32 s0, s3;
	s0 =	sld [smem:$0x3FAF]  }
0x30: {  	s3 =	sld [smem:$0x3FB2]  }
0x31: {  	[smem:$0x3FBB] =	sst s10  }
0x32: {  	s10 =	sld [smem:$0x3FB9];
	_ =	sdelay $0x3  }
0x33: {  	p0 =	seq.s32 s10, $0x1;
	s10 =	sld [smem:$0x3FBB];
	_ =	sdelay $0x3  }
0x34: {  	[smem:$0x3FBB] =	sst s10  }
0x35: {  	s10 =	sld [smem:$0x3FBA];
	_ =	sdelay $0x3  }
0x36: {  	p1 =	seq.s32 s10, $0x1;
	s10 =	sld [smem:$0x3FBB];
	_ =	sdelay $0x3  }
0x37: {  	[smem:$0x3FBB] =	sst s10  }
0x38: {  	s10 =	sld [smem:$0x3FBC]  }
0x39: {  	_ = 	snop;
	(pc) =	sbr.ind lr, $3  }
0x3a: {  	_ = 	snop  }
0x3b: {  	_ = 	snop  }
0x3c: {  	p2 =	seq.s32 s10, $0x1;
	s10 =	sld [smem:$0x3FBB]  }
0x3d: {  	_ =	shalt  }
0x3e: {  	_ =	shalt  }
0x3f: {  	_ =	shalt  }
0x40: {  	_ =	shalt  }
0x41: {  	_ =	shalt  }
0x42: {  	_ =	shalt  }
0x43: {  	_ =	shalt  }
0x44: {  	_ =	shalt  }
0x45: {  	_ =	shalt  }
0x46: {  	_ =	shalt  }
0x47: {  	_ =	shalt  }
0x48: {  	_ =	shalt  }
0x49: {  	_ =	shalt  }
0x4a: {  	_ =	shalt  }
0x4b: {  	_ =	shalt  }
0x4c: {  	_ =	shalt  }
0x4d: {  	_ =	shalt  }
0x4e: {  	_ =	shalt  }
0x4f: {  	_ =	shalt  }
0x50: {  	_ =	shalt  }
0x51: {  	_ =	shalt  }
0x52: {  	_ =	shalt  }
0x53: {  	_ =	shalt  }
0x54: {  	_ =	shalt  }
0x55: {  	_ =	shalt  }
0x56: {  	_ =	shalt  }
0x57: {  	_ =	shalt  }
0x58: {  	_ =	shalt  }
0x59: {  	_ =	shalt  }
0x5a: {  	_ =	shalt  }
0x5b: {  	_ =	shalt  }
0x5c: {  	_ =	shalt  }
0x5d: {  	_ =	shalt  }
0x5e: {  	_ =	shalt  }
0x5f: {  	_ =	shalt  }
0x60: {  	_ =	shalt  }
0x61: {  	_ =	shalt  }
0x62: {  	_ =	shalt  }
0x63: {  	_ =	shalt  }
0x64: {  	_ =	shalt  }
0x65: {  	_ =	shalt  }
0x66: {  	_ =	shalt  }
0x67: {  	_ =	shalt  }
0x68: {  	_ =	shalt  }
0x69: {  	_ =	shalt  }
0x6a: {  	_ =	shalt  }
0x6b: {  	_ =	shalt  }
0x6c: {  	_ =	shalt  }
0x6d: {  	_ =	shalt  }
0x6e: {  	_ =	shalt  }
0x6f: {  	_ =	shalt  }
0x70: {  	_ =	shalt  }
0x71: {  	_ =	shalt  }
0x72: {  	_ =	shalt  }
0x73: {  	_ =	shalt  }
0x74: {  	_ =	shalt  }
0x75: {  	_ =	shalt  }
0x76: {  	_ =	shalt  }
0x77: {  	_ =	shalt  }
0x78: {  	_ =	shalt  }
0x79: {  	_ =	shalt  }
0x7a: {  	_ =	shalt  }
0x7b: {  	_ =	shalt  }
0x7c: {  	_ =	shalt  }
0x7d: {  	_ =	shalt  }
0x7e: {  	_ =	shalt  }
0x7f: {  	_ =	shalt  }
0x80: {  	_ =	shalt  }
0x81: {  	_ =	shalt  }
0x82: {  	_ =	shalt  }
0x83: {  	_ =	shalt  }
0x84: {  	_ =	shalt  }
0x85: {  	_ =	shalt  }
0x86: {  	_ =	shalt  }
0x87: {  	_ =	shalt  }
.Lfunc_end0:
.L_simem_size_0:
called_computation_lowered:
.L_overlay_start_0:
0x88: {  	s2 =	sld [smem:$0x3FD9]  }
0x89: {  	s3 =	sld [smem:$0x3FFE];
	_ =	sdelay $0x1  }
0x8a: {  	s1 =	srdreg.scid  }
0x8b: {  	s0 =	sand.u32 $0x1, s1  }
0x8c: {  	s17 =	sshll.u32 s0, $0xA;
	s2 =	sadd.s32 s3, s2  }
0x8d: {  	s2 =	sadd.s32 s2, s17  }
0x8e: {  	[smem:$0x3FC7] =	sst s2  }
0x8f: {  	_ = 	snop  }
0x90: {  	s2 =	sld [smem:$0x3FC9];
	(tm) =	ssettm $0x1  }
0x91: {  	s18 =	sld [smem:$0x3FFB];
	_ =	sdelay $0x3  }
0x92: {  	_ =	strace s18  }
0x93: {  	s3 =	sld [smem:$0x3FFC];
	_ =	sdelay $0x3  }
0x94: {  	_ =	strace s3  }
0x95: {  	s3 =	sld [smem:$0x3FFD];
	_ =	sdelay $0x3  }
0x96: {  	_ =	strace s3  }
0x97: {  	_ =	strace $0x8FFFFFFF  }
0x98: {  	s19 =	sld [smem:$0x3FDB];
	_ =	sdelay $0x1  }
0x99: {  	s4 =	simm.s32 $_scs_section_size  }
0x9a: {  	s5 =	simm.s32 $_size__tile_overlayer_lowered;
	s6 =	simm.s32 $_tile_overlayer_lowered  }
0x9b: {  	s22 =	simm.s32 $0x1BFF;
	s21 =	sshll.u32 s6, $0x1;
	s3 =	sadd.s32 s4, s19  }
0x9c: {  	s7 =	simm.s32 $0x0;
	s20 =	sshll.u32 s5, $0x1;
	s5 =	sadd.s32 s21, s3  }
0x9d: {  	[timem:s7], [sflag:s22] =	dma.local [hbm:s5], s20  }
0x9e: {  	_ =	swait.ge [sflag:s22], s20  }
0x9f: {  	s4 =	ssub.s32 $0x0, s20;
	[sflag:s22] =	ssyncset.done $0x0  }
0xa0: {  	[sflag:s22] =	ssyncadd.s32 s4;
	_ =	sdelay $0x1  }
0xa1: {  	s23 =	simm.s32 $0x1B8B  }
0xa2: {  	_ =	swait.ge [sflag:s23], $0x1  }
0xa3: {  	[sflag:s23] =	ssyncset.done $0x0  }
0xa4: {  	s25 =	simm.s32 $0x1B8E;
	s24 =	sld [smem:$0x3FFE];
	[sflag:s23] =	ssyncadd.s32 $0xFFFFFFFF  }
0xa5: {  	s26 =	simm.s32 $execute0_lowered;
	[smem:$0x3FD2] =	sst s25  }
0xa6: {  	s5 =	sshll.u32 s26, $0x1;
	_ =	strace $0x80000046;
	[dreg:$0x1] =	wrdreg $0xFFFFFFFF  }
0xa7: {  	s28 =	simm.s32 $_size_execute0_lowered;
	s3 =	sadd.s32 s3, s5;
	[dreg:$0x0] =	wrdreg $0x0  }
0xa8: {  	s5 =	sshll.u32 s28, $0x1;
	[dreg:$0x2] =	wrdreg s3  }
0xa9: {  	[dreg:$0x3] =	wrdreg s5  }
0xaa: {  	[dreg:$0x4] =	wrdreg $0xC0  }
0xab: {  	_ =	task [dreg:s7], $0x5FFFF  }
0xac: {  	[dreg:$0x1] =	wrdreg $0xFFFFFFFF  }
0xad: {  	[dreg:$0x0] =	wrdreg $0x60  }
0xae: {  	[dreg:$0x2] =	wrdreg s2  }
0xaf: {  	[dreg:$0x3] =	wrdreg s24  }
0xb0: {  	[dreg:$0x4] =	wrdreg $0x9  }
0xb1: {  	_ =	task.clear_ibuf [dreg:s7], $0x5FFFF;
	_ =	strace $0x90000046  }
0xb2: {  	s29 =	simm.s32 $0x9;
	_ =	strace $0x80000048  }
0xb3: {  	_ =	swait.ge [sflag:s29], $0x1  }
0xb4: {  	[sflag:s29] =	ssyncadd.s32 $0xFFFFFFFF  }
0xb5: {  	_ =	strace $0x90000048  }
0xb6: {  	_ =	sfence  }
0xb7: {  	s30 =	sld [smem:$0x0];
	_ =	sdelay $0x2  }
0xb8: {  	s31 =	sshll.u32 s1, $0xD;
	s1 =	sshrl.u32 s1, $0x2  }
0xb9: {  	s3 =	sand.u32 $0x4000, s31;
	s1 =	sadd.s32 s1, s30  }
0xba: {  	s0 =	sor.u32 s3, s0;
	s1 =	sshll.u32 s1, $0x11  }
0xbb: {  	s0 =	sor.u32 s1, s0  }
0xbc: {  	s0 =	sadd.s32 $0x8F2B, s0  }
0xbd: {  	[sflag:s0] =	ssyncadd.remote.s32 $0x1  }
0xbe: {  	_ =	sfence.sel $0xFFFF  }
0xbf: {  	[dreg:$0x0] =	wrdreg $0xFFFFFFFF;
	(pc) =	sbr.abs _section_cstart, $3  }
0xc0: {  	[dreg:$0x1] =	wrdreg $0xFFFFFFFF  }
0xc1: {  	_ =	task.clear_ibuf [dreg:s7], $0x2FFFF;
	_ =	strace $0x9FFFFFFF  }
0xc2: {  	(tm) =	ssettm $0x7FFFFFFF  }
0xc3: {  	_ =	shalt  }
tec
execute0_lowered:
.L_overlay_start_1:
0x0: {  	(tag) =	ssettag $0x1  }
0x1: {  	s2 =	rddreg [dreg:$0x0]  }
0x2: {  	s4 =	rddreg [dreg:$0x1]  }
0x3: {  	s0 =	rddreg [dreg:$0x2]  }
0x4: {  	s5 =	srdreg.scid;
	s1 =	stileid.u32;
	s3 =	simm.s32 $0x0  }
0x5: {  	s11 =	simm.s32 $0x7000;
	s12 =	simm.s32 $0x1;
	s13 =	simm.s32 $0xE000  }
0x6: {  	s14 =	simm.s32 $0x2;
	s15 =	simm.s32 $0x11800;
	s16 =	simm.s32 $0x3  }
0x7: {  	s17 =	simm.s32 $0x4;
	s5 =	sand.u32 $0x1, s5;
	s6 =	sshll.u32 s1, $0x1  }
0x8: {  	s18 =	simm.s32 $0x0;
	[smem:$0x7FF] =	sst s3;
	s6 =	sor.u32 s5, s6  }
0x9: {  	s4 =	sadd.s32 $0x400, s4;
	s8 =	ssub.s32 $0x2, s5;
	s7 =	smul.u32 $0x18800, s6  }
0xa: {  	_ =	strace $0x80000047;
	s9 =	smul.u32 $0x6200, s6;
	s10 =	sshrl.u32 s8, $0x1  }
0xb: {  	s5 =	smul.u32 $0x310, s6;
	s10 =	ssub.s32 s8, s10;
	s7 =	sshrl.u32 s7, $0x3  }
0xc: {  	s6 =	sadd.s32 s2, s9;
	s9 =	smax.u32 s10, $0x1;
	s31 =	sadd.s32 s4, s7  }
0xd: {  	s10 =	sadd.s32 $0x70, s5;
	s7 =	sadd.s32 $0xE0, s5;
	s8 =	sadd.s32 $0x2A00, s31  }
.LBB2_1:
0xe: {  	[tilespmem:s3], [sflag:$0x1] =	stream.linear.gather [hbm4b:s6+s3], $0x7000, $0x38;
	[tilespmem:$0x15000] =	vst v63  }
0xf: {  	s19 =	simm.s32 $0x0  }
.LBB2_2:
0x10: {  	s21 =	smul.u32 $0xE0, s19;
	_ =	sdelay $0x1  }
0x11: {  	s20 =	sadd.s32 s10, s21  }
0x12: {  	s22 =	sshll.u32 s20, $0x5  }
0x13: {  	s22 =	sand.u32 $0x1FFFFE00, s22  }
0x14: {  	s22 =	sadd.s32 s2, s22  }
0x15: {  	[tilespmem:s11], [sflag:$0x2] =	stream.linear.gather [hbm4b:s22+s3], $0x7000, $0x38;
	[tilespmem:$0x15000] =	vst v63  }
0x16: {  	_ =	swait.ge [sflag:s12], $0x7000  }
0x17: {  	p0 =	seq.s32 s19, $0x0;
	[sflag:s12] =	ssyncset.done $0x0  }
0x18: {  	s22 =	simm.s32 @!p0 $0x3;
	[sflag:s12] =	ssyncadd.s32 $0xFFFF9000  }
0x19: {  	_ =	swait.ge @!p0 [sflag:s22], $0x3800  }
0x1a: {  	[sflag:s22] =	ssyncset.done @!p0 $0x0  }
0x1b: {  	s23 =	simm.s32 $0x200;
	[sflag:s22] =	ssyncadd.s32 @!p0 $0xFFFFC800  }
0x1c: {  	v0 =	vld [tilespmem:s23+$0x100]  }
0x1d: {  	v1 =	vld [tilespmem:s23+$0x180];
	_ =	sdelay $0x2  }
0x1e: {  	v2 =	vld [tilespmem:s23+$0xFFFFFF00]  }
0x1f: {  	v3 =	vld [tilespmem:s23+$0xFFFFFF80]  }
0x20: {  	s22 =	simm.s32 $0xE100;
	v4 =	vld [tilespmem:s23+$0xFFFFFE80];
	v0 =	vmax.f32 v0, v1  }
0x21: {  	v1 =	vld [tilespmem:s23+$0xFFFFFE00];
	[tilespmem:s22+$0x80] =	vst v0  }
0x22: {  	v0 =	vld [tilespmem:s23+$0x110]  }
0x23: {  	v5 =	vld [tilespmem:s23+$0x190]  }
0x24: {  	v6 =	vld [tilespmem:s23+$0x0];
	v2 =	vmax.f32 v2, v3  }
0x25: {  	v3 =	vld [tilespmem:s23+$0x80];
	[tilespmem:s22+$0xFFFFFF80] =	vst v2  }
0x26: {  	v2 =	vld [tilespmem:s23+$0xFFFFFF10];
	v1 =	vmax.f32 v1, v4  }
0x27: {  	v4 =	vld [tilespmem:s23+$0xFFFFFF90];
	[tilespmem:s22+$0xFFFFFF00] =	vst v1  }
0x28: {  	v1 =	vld [tilespmem:s23+$0xFFFFFE10];
	v0 =	vmax.f32 v0, v5  }
0x29: {  	v5 =	vld [tilespmem:s23+$0xFFFFFE90];
	[tilespmem:s22+$0x90] =	vst v0  }
0x2a: {  	v0 =	vmax.f32 v6, v3;
	v3 =	vld [tilespmem:s23+$0x120]  }
0x2b: {  	[tilespmem:s22+$0x0] =	vst v0;
	v0 =	vld [tilespmem:s23+$0x1A0]  }
0x2c: {  	v6 =	vld [tilespmem:s23+$0x10];
	v2 =	vmax.f32 v2, v4  }
0x2d: {  	[tilespmem:s22+$0xFFFFFF90] =	vst v2;
	v2 =	vld [tilespmem:s23+$0x90]  }
0x2e: {  	v4 =	vld [tilespmem:s23+$0xFFFFFF20];
	v1 =	vmax.f32 v1, v5  }
0x2f: {  	v5 =	vld [tilespmem:s23+$0xFFFFFFA0];
	[tilespmem:s22+$0xFFFFFF10] =	vst v1  }
0x30: {  	v1 =	vld [tilespmem:s23+$0xFFFFFE20];
	v0 =	vmax.f32 v3, v0  }
0x31: {  	v3 =	vld [tilespmem:s23+$0xFFFFFEA0];
	[tilespmem:s22+$0xA0] =	vst v0  }
0x32: {  	v0 =	vmax.f32 v6, v2;
	v2 =	vld [tilespmem:s23+$0x130]  }
0x33: {  	[tilespmem:s22+$0x10] =	vst v0;
	v0 =	vld [tilespmem:s23+$0x1B0]  }
0x34: {  	v4 =	vmax.f32 v4, v5;
	v5 =	vld [tilespmem:s23+$0x20]  }
0x35: {  	[tilespmem:s22+$0xFFFFFFA0] =	vst v4;
	v4 =	vld [tilespmem:s23+$0xA0]  }
0x36: {  	v1 =	vmax.f32 v1, v3;
	v3 =	vld [tilespmem:s23+$0xFFFFFF30]  }
0x37: {  	[tilespmem:s22+$0xFFFFFF20] =	vst v1;
	v1 =	vld [tilespmem:s23+$0xFFFFFFB0]  }
0x38: {  	v6 =	vld [tilespmem:s23+$0xFFFFFE30];
	v0 =	vmax.f32 v2, v0  }
0x39: {  	v2 =	vld [tilespmem:s23+$0xFFFFFEB0];
	[tilespmem:s22+$0xB0] =	vst v0  }
0x3a: {  	v0 =	vmax.f32 v5, v4;
	v4 =	vld [tilespmem:s23+$0x140]  }
0x3b: {  	[tilespmem:s22+$0x20] =	vst v0;
	v0 =	vld [tilespmem:s23+$0x1C0]  }
0x3c: {  	v1 =	vmax.f32 v3, v1;
	v3 =	vld [tilespmem:s23+$0x30]  }
0x3d: {  	[tilespmem:s22+$0xFFFFFFB0] =	vst v1;
	v1 =	vld [tilespmem:s23+$0xB0]  }
0x3e: {  	v2 =	vmax.f32 v6, v2;
	v5 =	vld [tilespmem:s23+$0xFFFFFF40]  }
0x3f: {  	[tilespmem:s22+$0xFFFFFF30] =	vst v2;
	v2 =	vld [tilespmem:s23+$0xFFFFFFC0]  }
0x40: {  	v6 =	vld [tilespmem:s23+$0xFFFFFE40];
	v0 =	vmax.f32 v4, v0  }
0x41: {  	v4 =	vld [tilespmem:s23+$0xFFFFFEC0];
	[tilespmem:s22+$0xC0] =	vst v0  }
0x42: {  	v0 =	vmax.f32 v3, v1;
	v1 =	vld [tilespmem:s23+$0x150]  }
0x43: {  	[tilespmem:s22+$0x30] =	vst v0;
	v0 =	vld [tilespmem:s23+$0x1D0]  }
0x44: {  	v2 =	vmax.f32 v5, v2;
	v3 =	vld [tilespmem:s23+$0x40]  }
0x45: {  	[tilespmem:s22+$0xFFFFFFC0] =	vst v2;
	v2 =	vld [tilespmem:s23+$0xC0]  }
0x46: {  	v4 =	vmax.f32 v6, v4;
	v5 =	vld [tilespmem:s23+$0xFFFFFF50]  }
0x47: {  	[tilespmem:s22+$0xFFFFFF40] =	vst v4;
	v4 =	vld [tilespmem:s23+$0xFFFFFFD0]  }
0x48: {  	v6 =	vld [tilespmem:s23+$0xFFFFFE50];
	v0 =	vmax.f32 v1, v0  }
0x49: {  	v1 =	vld [tilespmem:s23+$0xFFFFFED0];
	[tilespmem:s22+$0xD0] =	vst v0  }
0x4a: {  	v0 =	vmax.f32 v3, v2;
	v2 =	vld [tilespmem:s23+$0x160]  }
0x4b: {  	[tilespmem:s22+$0x40] =	vst v0;
	v0 =	vld [tilespmem:s23+$0x1E0]  }
0x4c: {  	v3 =	vmax.f32 v5, v4;
	v4 =	vld [tilespmem:s23+$0x50]  }
0x4d: {  	[tilespmem:s22+$0xFFFFFFD0] =	vst v3;
	v3 =	vld [tilespmem:s23+$0xD0]  }
0x4e: {  	v1 =	vmax.f32 v6, v1;
	v5 =	vld [tilespmem:s23+$0xFFFFFF60]  }
0x4f: {  	[tilespmem:s22+$0xFFFFFF50] =	vst v1;
	v1 =	vld [tilespmem:s23+$0xFFFFFFE0]  }
0x50: {  	v6 =	vld [tilespmem:s23+$0xFFFFFE60];
	v0 =	vmax.f32 v2, v0  }
0x51: {  	v2 =	vld [tilespmem:s23+$0xFFFFFEE0];
	[tilespmem:s22+$0xE0] =	vst v0  }
0x52: {  	v0 =	vmax.f32 v4, v3;
	v7 =	vld [tilespmem:s23+$0x170]  }
0x53: {  	[tilespmem:s22+$0x50] =	vst v0;
	v8 =	vld [tilespmem:s23+$0x1F0]  }
0x54: {  	v1 =	vmax.f32 v5, v1;
	v0 =	vld [tilespmem:s23+$0x60]  }
0x55: {  	v3 =	vld [tilespmem:s23+$0xE0];
	[tilespmem:s22+$0xFFFFFFE0] =	vst v1  }
0x56: {  	v2 =	vmax.f32 v6, v2;
	v1 =	vld [tilespmem:s23+$0xFFFFFF70]  }
0x57: {  	v4 =	vld [tilespmem:s23+$0xFFFFFFF0];
	[tilespmem:s22+$0xFFFFFF60] =	vst v2  }
0x58: {  	v2 =	vld [tilespmem:s23+$0xFFFFFE70];
	v6 =	vmax.f32 v7, v8  }
0x59: {  	s25 =	simm.s32 $0x0;
	s26 =	simm.s32 $0x600;
	s24 =	simm.s32 $0xE100;
	v5 =	vld [tilespmem:s23+$0xFFFFFEF0];
	[tilespmem:s22+$0xF0] =	vst v6  }
.LBB2_3:
0x5a: {  	v6 =	vld [tilespmem:s26+$0x100];
	v0 =	vmax.f32 v0, v3  }
0x5b: {  	v3 =	vld [tilespmem:s26+$0x180];
	[tilespmem:s22+$0x60] =	vst v0  }
0x5c: {  	v0 =	vld [tilespmem:s26+$0xFFFFFE80];
	v1 =	vmax.f32 v1, v4  }
0x5d: {  	v4 =	vld [tilespmem:s26+$0xFFFFFF00];
	[tilespmem:s22+$0xFFFFFFF0] =	vst v1  }
0x5e: {  	v1 =	vld [tilespmem:s26+$0xFFFFFF80];
	v2 =	vmax.f32 v2, v5  }
0x5f: {  	v5 =	vld [tilespmem:s26+$0x0];
	[tilespmem:s22+$0xFFFFFF70] =	vst v2  }
0x60: {  	s22 =	sadd.s32 $0x200, s22;
	v2 =	vld [tilespmem:s26+$0x80];
	v3 =	vmax.f32 v6, v3  }
0x61: {  	v6 =	vld [tilespmem:s26+$0xFFFFFE00];
	[tilespmem:s22+$0x80] =	vst v3  }
0x62: {  	s25 =	sadd.s32 $0x4, s25;
	v3 =	vld [tilespmem:s26+$0x110]  }
0x63: {  	p1 =	slt.u32 s25, $0x6C;
	v1 =	vmax.f32 v4, v1;
	v4 =	vld [tilespmem:s26+$0x190]  }
0x64: {  	[tilespmem:s22+$0xFFFFFF80] =	vst v1;
	v1 =	vld [tilespmem:s23+$0x70]  }
0x65: {  	v7 =	vld [tilespmem:s26+$0xFFFFFF10];
	v2 =	vmax.f32 v5, v2  }
0x66: {  	v0 =	vmax.f32 v6, v0;
	v5 =	vld [tilespmem:s26+$0xFFFFFF90];
	[tilespmem:s22+$0x0] =	vst v2  }
0x67: {  	[tilespmem:s22+$0xFFFFFF00] =	vst v0;
	v0 =	vld [tilespmem:s26+$0x10]  }
0x68: {  	v2 =	vld [tilespmem:s26+$0xFFFFFE10];
	v3 =	vmax.f32 v3, v4  }
0x69: {  	v4 =	vld [tilespmem:s26+$0xFFFFFE90];
	[tilespmem:s22+$0x90] =	vst v3  }
0x6a: {  	v3 =	vld [tilespmem:s26+$0x120]  }
0x6b: {  	v5 =	vmax.f32 v7, v5;
	v6 =	vld [tilespmem:s26+$0x1A0]  }
0x6c: {  	[tilespmem:s22+$0xFFFFFF90] =	vst v5;
	v5 =	vld [tilespmem:s26+$0x90]  }
0x6d: {  	v7 =	vld [tilespmem:s26+$0xFFFFFF20]  }
0x6e: {  	v2 =	vmax.f32 v2, v4;
	v4 =	vld [tilespmem:s26+$0xFFFFFFA0]  }
0x6f: {  	[tilespmem:s22+$0xFFFFFF10] =	vst v2;
	v2 =	vld [tilespmem:s23+$0xF0];
	s23 =	smov.u32 s26  }
0x70: {  	v8 =	vld [tilespmem:s26+$0xFFFFFE20];
	v3 =	vmax.f32 v3, v6  }
0x71: {  	v6 =	vld [tilespmem:s26+$0xFFFFFEA0];
	v0 =	vmax.f32 v0, v5;
	[tilespmem:s22+$0xA0] =	vst v3  }
0x72: {  	[tilespmem:s22+$0x10] =	vst v0;
	v0 =	vld [tilespmem:s26+$0x130]  }
0x73: {  	v3 =	vmax.f32 v7, v4;
	v4 =	vld [tilespmem:s26+$0x1B0]  }
0x74: {  	[tilespmem:s22+$0xFFFFFFA0] =	vst v3;
	v3 =	vld [tilespmem:s26+$0x20];
	v1 =	vmax.f32 v1, v2  }
0x75: {  	v2 =	vld [tilespmem:s26+$0xA0];
	[tilespmem:s24+$0x70] =	vst v1;
	s24 =	smov.u32 s22  }
0x76: {  	v1 =	vmax.f32 v8, v6;
	v5 =	vld [tilespmem:s26+$0xFFFFFF30]  }
0x77: {  	[tilespmem:s22+$0xFFFFFF20] =	vst v1;
	v1 =	vld [tilespmem:s26+$0xFFFFFFB0]  }
0x78: {  	v6 =	vld [tilespmem:s26+$0xFFFFFE30];
	v0 =	vmax.f32 v0, v4  }
0x79: {  	v4 =	vld [tilespmem:s26+$0xFFFFFEB0];
	[tilespmem:s22+$0xB0] =	vst v0  }
0x7a: {  	v0 =	vmax.f32 v3, v2;
	v2 =	vld [tilespmem:s26+$0x140]  }
0x7b: {  	[tilespmem:s22+$0x20] =	vst v0;
	v0 =	vld [tilespmem:s26+$0x1C0]  }
0x7c: {  	v1 =	vmax.f32 v5, v1;
	v3 =	vld [tilespmem:s26+$0x30]  }
0x7d: {  	[tilespmem:s22+$0xFFFFFFB0] =	vst v1;
	v1 =	vld [tilespmem:s26+$0xB0]  }
0x7e: {  	v4 =	vmax.f32 v6, v4;
	v5 =	vld [tilespmem:s26+$0xFFFFFF40]  }
0x7f: {  	[tilespmem:s22+$0xFFFFFF30] =	vst v4;
	v4 =	vld [tilespmem:s26+$0xFFFFFFC0]  }
0x80: {  	v6 =	vld [tilespmem:s26+$0xFFFFFE40];
	v0 =	vmax.f32 v2, v0  }
0x81: {  	v2 =	vld [tilespmem:s26+$0xFFFFFEC0];
	[tilespmem:s22+$0xC0] =	vst v0  }
0x82: {  	v0 =	vmax.f32 v3, v1;
	v1 =	vld [tilespmem:s26+$0x150]  }
0x83: {  	[tilespmem:s22+$0x30] =	vst v0;
	v0 =	vld [tilespmem:s26+$0x1D0]  }
0x84: {  	v3 =	vmax.f32 v5, v4;
	v4 =	vld [tilespmem:s26+$0x40]  }
0x85: {  	[tilespmem:s22+$0xFFFFFFC0] =	vst v3;
	v3 =	vld [tilespmem:s26+$0xC0]  }
0x86: {  	v2 =	vmax.f32 v6, v2;
	v5 =	vld [tilespmem:s26+$0xFFFFFF50]  }
0x87: {  	[tilespmem:s22+$0xFFFFFF40] =	vst v2;
	v2 =	vld [tilespmem:s26+$0xFFFFFFD0]  }
0x88: {  	v6 =	vld [tilespmem:s26+$0xFFFFFE50];
	v0 =	vmax.f32 v1, v0  }
0x89: {  	v1 =	vld [tilespmem:s26+$0xFFFFFED0];
	[tilespmem:s22+$0xD0] =	vst v0  }
0x8a: {  	v0 =	vmax.f32 v4, v3;
	v3 =	vld [tilespmem:s26+$0x160]  }
0x8b: {  	[tilespmem:s22+$0x40] =	vst v0;
	v0 =	vld [tilespmem:s26+$0x1E0]  }
0x8c: {  	v2 =	vmax.f32 v5, v2;
	v4 =	vld [tilespmem:s26+$0x50]  }
0x8d: {  	[tilespmem:s22+$0xFFFFFFD0] =	vst v2;
	v2 =	vld [tilespmem:s26+$0xD0]  }
0x8e: {  	v1 =	vmax.f32 v6, v1;
	v5 =	vld [tilespmem:s26+$0xFFFFFF60]  }
0x8f: {  	[tilespmem:s22+$0xFFFFFF50] =	vst v1;
	v1 =	vld [tilespmem:s26+$0xFFFFFFE0]  }
0x90: {  	v6 =	vld [tilespmem:s26+$0xFFFFFE60];
	v0 =	vmax.f32 v3, v0  }
0x91: {  	v7 =	vld [tilespmem:s26+$0xFFFFFEE0];
	[tilespmem:s22+$0xE0] =	vst v0  }
0x92: {  	v0 =	vmax.f32 v4, v2;
	v8 =	vld [tilespmem:s26+$0x170]  }
0x93: {  	[tilespmem:s22+$0x50] =	vst v0;
	v9 =	vld [tilespmem:s26+$0x1F0]  }
0x94: {  	v1 =	vmax.f32 v5, v1;
	v0 =	vld [tilespmem:s26+$0x60]  }
.Ltmp0:
0x95: {  	[tilespmem:s22+$0xFFFFFFE0] =	vst v1;
	v3 =	vld [tilespmem:s26+$0xE0];
	(pc) =	sbr.rel @p1 .LBB2_3-.Ltmp0, $4  }
0x96: {  	v2 =	vmax.f32 v6, v7;
	v1 =	vld [tilespmem:s26+$0xFFFFFF70]  }
0x97: {  	[tilespmem:s22+$0xFFFFFF60] =	vst v2;
	v4 =	vld [tilespmem:s26+$0xFFFFFFF0]  }
0x98: {  	v2 =	vld [tilespmem:s26+$0xFFFFFE70];
	v6 =	vmax.f32 v8, v9  }
0x99: {  	s26 =	sadd.s32 $0x400, s26;
	v5 =	vld [tilespmem:s23+$0xFFFFFEF0];
	[tilespmem:s22+$0xF0] =	vst v6  }
0x9a: {  	v0 =	vmax.f32 v0, v3  }
0x9b: {  	[tilespmem:s22+$0x60] =	vst v0  }
0x9c: {  	v0 =	vld [tilespmem:s23+$0x70]  }
0x9d: {  	v3 =	vld [tilespmem:s23+$0xF0];
	_ =	sdelay $0x2  }
0x9e: {  	v1 =	vmax.f32 v1, v4  }
0x9f: {  	s29 =	sadd.s32 s5, s21;
	s31 =	sadd.s32 s21, s7;
	[tilespmem:s22+$0xFFFFFFF0] =	vst v1;
	v1 =	vmax.f32 v2, v5  }
0xa0: {  	s30 =	sshll.u32 s29, $0x4;
	s21 =	sshll.u32 s31, $0x5;
	[tilespmem:s22+$0xFFFFFF70] =	vst v1;
	v0 =	vmax.f32 v0, v3  }
0xa1: {  	s21 =	sand.u32 $0x1FFFFE00, s21;
	s22 =	sadd.s32 s4, s30;
	[tilespmem:s24+$0x70] =	vst v0  }
0xa2: {  	[hbm4b:s22+s3] =	stream.linear.scatter [tilespmem:s13], [sflag:$0x3], $0x3800, $0x38;
	[tilespmem:$0x15000] =	vst v63  }
0xa3: {  	s21 =	sadd.s32 s2, s21  }
0xa4: {  	[tilespmem:s3], [sflag:$0x1] =	stream.linear.gather [hbm4b:s21+s3], $0x7000, $0x38;
	[tilespmem:$0x15000] =	vst v63  }
0xa5: {  	_ =	swait.ge [sflag:s14], $0x7000  }
0xa6: {  	[sflag:s14] =	ssyncset.done $0x0  }
0xa7: {  	s21 =	simm.s32 @!p0 $0x4;
	[sflag:s14] =	ssyncadd.s32 $0xFFFF9000  }
0xa8: {  	_ =	swait.ge @!p0 [sflag:s21], $0x3800  }
0xa9: {  	[sflag:s21] =	ssyncset.done @!p0 $0x0  }
0xaa: {  	[sflag:s21] =	ssyncadd.s32 @!p0 $0xFFFFC800;
	s21 =	simm.s32 $0x7200  }
0xab: {  	v0 =	vld [tilespmem:s21+$0x100]  }
0xac: {  	v1 =	vld [tilespmem:s21+$0x180];
	_ =	sdelay $0x2  }
0xad: {  	v2 =	vld [tilespmem:s21+$0xFFFFFF00]  }
0xae: {  	v3 =	vld [tilespmem:s21+$0xFFFFFF80]  }
0xaf: {  	s22 =	simm.s32 $0x11900;
	v4 =	vld [tilespmem:s21+$0xFFFFFE80];
	v0 =	vmax.f32 v0, v1  }
0xb0: {  	v1 =	vld [tilespmem:s21+$0xFFFFFE00];
	[tilespmem:s22+$0x80] =	vst v0  }
0xb1: {  	v0 =	vld [tilespmem:s21+$0x110]  }
0xb2: {  	v5 =	vld [tilespmem:s21+$0x190]  }
0xb3: {  	v6 =	vld [tilespmem:s21+$0x0];
	v2 =	vmax.f32 v2, v3  }
0xb4: {  	v3 =	vld [tilespmem:s21+$0x80];
	[tilespmem:s22+$0xFFFFFF80] =	vst v2  }
0xb5: {  	v2 =	vld [tilespmem:s21+$0xFFFFFF10];
	v1 =	vmax.f32 v1, v4  }
0xb6: {  	v4 =	vld [tilespmem:s21+$0xFFFFFF90];
	[tilespmem:s22+$0xFFFFFF00] =	vst v1  }
0xb7: {  	v1 =	vld [tilespmem:s21+$0xFFFFFE10];
	v0 =	vmax.f32 v0, v5  }
0xb8: {  	v5 =	vld [tilespmem:s21+$0xFFFFFE90];
	[tilespmem:s22+$0x90] =	vst v0  }
0xb9: {  	v0 =	vmax.f32 v6, v3;
	v3 =	vld [tilespmem:s21+$0x120]  }
0xba: {  	[tilespmem:s22+$0x0] =	vst v0;
	v0 =	vld [tilespmem:s21+$0x1A0]  }
0xbb: {  	v6 =	vld [tilespmem:s21+$0x10];
	v2 =	vmax.f32 v2, v4  }
0xbc: {  	[tilespmem:s22+$0xFFFFFF90] =	vst v2;
	v2 =	vld [tilespmem:s21+$0x90]  }
0xbd: {  	v4 =	vld [tilespmem:s21+$0xFFFFFF20];
	v1 =	vmax.f32 v1, v5  }
0xbe: {  	v5 =	vld [tilespmem:s21+$0xFFFFFFA0];
	[tilespmem:s22+$0xFFFFFF10] =	vst v1  }
0xbf: {  	v1 =	vld [tilespmem:s21+$0xFFFFFE20];
	v0 =	vmax.f32 v3, v0  }
0xc0: {  	v3 =	vld [tilespmem:s21+$0xFFFFFEA0];
	[tilespmem:s22+$0xA0] =	vst v0  }
0xc1: {  	v0 =	vmax.f32 v6, v2;
	v2 =	vld [tilespmem:s21+$0x130]  }
0xc2: {  	[tilespmem:s22+$0x10] =	vst v0;
	v0 =	vld [tilespmem:s21+$0x1B0]  }
0xc3: {  	v4 =	vmax.f32 v4, v5;
	v5 =	vld [tilespmem:s21+$0x20]  }
0xc4: {  	[tilespmem:s22+$0xFFFFFFA0] =	vst v4;
	v4 =	vld [tilespmem:s21+$0xA0]  }
0xc5: {  	v1 =	vmax.f32 v1, v3;
	v3 =	vld [tilespmem:s21+$0xFFFFFF30]  }
0xc6: {  	[tilespmem:s22+$0xFFFFFF20] =	vst v1;
	v1 =	vld [tilespmem:s21+$0xFFFFFFB0]  }
0xc7: {  	v6 =	vld [tilespmem:s21+$0xFFFFFE30];
	v0 =	vmax.f32 v2, v0  }
0xc8: {  	v2 =	vld [tilespmem:s21+$0xFFFFFEB0];
	[tilespmem:s22+$0xB0] =	vst v0  }
0xc9: {  	v0 =	vmax.f32 v5, v4;
	v4 =	vld [tilespmem:s21+$0x140]  }
0xca: {  	[tilespmem:s22+$0x20] =	vst v0;
	v0 =	vld [tilespmem:s21+$0x1C0]  }
0xcb: {  	v1 =	vmax.f32 v3, v1;
	v3 =	vld [tilespmem:s21+$0x30]  }
0xcc: {  	[tilespmem:s22+$0xFFFFFFB0] =	vst v1;
	v1 =	vld [tilespmem:s21+$0xB0]  }
0xcd: {  	v2 =	vmax.f32 v6, v2;
	v5 =	vld [tilespmem:s21+$0xFFFFFF40]  }
0xce: {  	[tilespmem:s22+$0xFFFFFF30] =	vst v2;
	v2 =	vld [tilespmem:s21+$0xFFFFFFC0]  }
0xcf: {  	v6 =	vld [tilespmem:s21+$0xFFFFFE40];
	v0 =	vmax.f32 v4, v0  }
0xd0: {  	v4 =	vld [tilespmem:s21+$0xFFFFFEC0];
	[tilespmem:s22+$0xC0] =	vst v0  }
0xd1: {  	v0 =	vmax.f32 v3, v1;
	v1 =	vld [tilespmem:s21+$0x150]  }
0xd2: {  	[tilespmem:s22+$0x30] =	vst v0;
	v0 =	vld [tilespmem:s21+$0x1D0]  }
0xd3: {  	v2 =	vmax.f32 v5, v2;
	v3 =	vld [tilespmem:s21+$0x40]  }
0xd4: {  	[tilespmem:s22+$0xFFFFFFC0] =	vst v2;
	v2 =	vld [tilespmem:s21+$0xC0]  }
0xd5: {  	v4 =	vmax.f32 v6, v4;
	v5 =	vld [tilespmem:s21+$0xFFFFFF50]  }
0xd6: {  	[tilespmem:s22+$0xFFFFFF40] =	vst v4;
	v4 =	vld [tilespmem:s21+$0xFFFFFFD0]  }
0xd7: {  	v6 =	vld [tilespmem:s21+$0xFFFFFE50];
	v0 =	vmax.f32 v1, v0  }
0xd8: {  	v1 =	vld [tilespmem:s21+$0xFFFFFED0];
	[tilespmem:s22+$0xD0] =	vst v0  }
0xd9: {  	v0 =	vmax.f32 v3, v2;
	v2 =	vld [tilespmem:s21+$0x160]  }
0xda: {  	[tilespmem:s22+$0x40] =	vst v0;
	v0 =	vld [tilespmem:s21+$0x1E0]  }
0xdb: {  	v3 =	vmax.f32 v5, v4;
	v4 =	vld [tilespmem:s21+$0x50]  }
0xdc: {  	[tilespmem:s22+$0xFFFFFFD0] =	vst v3;
	v3 =	vld [tilespmem:s21+$0xD0]  }
0xdd: {  	v1 =	vmax.f32 v6, v1;
	v5 =	vld [tilespmem:s21+$0xFFFFFF60]  }
0xde: {  	[tilespmem:s22+$0xFFFFFF50] =	vst v1;
	v1 =	vld [tilespmem:s21+$0xFFFFFFE0]  }
0xdf: {  	v6 =	vld [tilespmem:s21+$0xFFFFFE60];
	v0 =	vmax.f32 v2, v0  }
0xe0: {  	v2 =	vld [tilespmem:s21+$0xFFFFFEE0];
	[tilespmem:s22+$0xE0] =	vst v0  }
0xe1: {  	v0 =	vmax.f32 v4, v3;
	v7 =	vld [tilespmem:s21+$0x170]  }
0xe2: {  	[tilespmem:s22+$0x50] =	vst v0;
	v8 =	vld [tilespmem:s21+$0x1F0]  }
0xe3: {  	v1 =	vmax.f32 v5, v1;
	v0 =	vld [tilespmem:s21+$0x60]  }
0xe4: {  	v3 =	vld [tilespmem:s21+$0xE0];
	[tilespmem:s22+$0xFFFFFFE0] =	vst v1  }
0xe5: {  	v2 =	vmax.f32 v6, v2;
	v1 =	vld [tilespmem:s21+$0xFFFFFF70]  }
0xe6: {  	v4 =	vld [tilespmem:s21+$0xFFFFFFF0];
	[tilespmem:s22+$0xFFFFFF60] =	vst v2  }
0xe7: {  	v2 =	vld [tilespmem:s21+$0xFFFFFE70];
	v6 =	vmax.f32 v7, v8  }
0xe8: {  	s25 =	simm.s32 $0x7600;
	s23 =	simm.s32 $0x11900;
	s24 =	simm.s32 $0x0;
	v5 =	vld [tilespmem:s21+$0xFFFFFEF0];
	[tilespmem:s22+$0xF0] =	vst v6  }
.LBB2_5:
0xe9: {  	v6 =	vld [tilespmem:s25+$0x100];
	v0 =	vmax.f32 v0, v3  }
0xea: {  	v3 =	vld [tilespmem:s25+$0x180];
	[tilespmem:s22+$0x60] =	vst v0  }
0xeb: {  	v0 =	vld [tilespmem:s25+$0xFFFFFE80];
	v1 =	vmax.f32 v1, v4  }
0xec: {  	v4 =	vld [tilespmem:s25+$0xFFFFFF00];
	[tilespmem:s22+$0xFFFFFFF0] =	vst v1  }
0xed: {  	v1 =	vld [tilespmem:s25+$0xFFFFFF80];
	v2 =	vmax.f32 v2, v5  }
0xee: {  	v5 =	vld [tilespmem:s25+$0x0];
	[tilespmem:s22+$0xFFFFFF70] =	vst v2  }
0xef: {  	s22 =	sadd.s32 $0x200, s22;
	v2 =	vld [tilespmem:s25+$0x80];
	v3 =	vmax.f32 v6, v3  }
0xf0: {  	v6 =	vld [tilespmem:s25+$0xFFFFFE00];
	[tilespmem:s22+$0x80] =	vst v3  }
0xf1: {  	s24 =	sadd.s32 $0x4, s24;
	v3 =	vld [tilespmem:s25+$0x110]  }
0xf2: {  	p0 =	slt.u32 s24, $0x6C;
	v1 =	vmax.f32 v4, v1;
	v4 =	vld [tilespmem:s25+$0x190]  }
0xf3: {  	[tilespmem:s22+$0xFFFFFF80] =	vst v1;
	v1 =	vld [tilespmem:s21+$0x70]  }
0xf4: {  	v7 =	vld [tilespmem:s25+$0xFFFFFF10];
	v2 =	vmax.f32 v5, v2  }
0xf5: {  	v0 =	vmax.f32 v6, v0;
	v5 =	vld [tilespmem:s25+$0xFFFFFF90];
	[tilespmem:s22+$0x0] =	vst v2  }
0xf6: {  	[tilespmem:s22+$0xFFFFFF00] =	vst v0;
	v0 =	vld [tilespmem:s25+$0x10]  }
0xf7: {  	v2 =	vld [tilespmem:s25+$0xFFFFFE10];
	v3 =	vmax.f32 v3, v4  }
0xf8: {  	v4 =	vld [tilespmem:s25+$0xFFFFFE90];
	[tilespmem:s22+$0x90] =	vst v3  }
0xf9: {  	v3 =	vld [tilespmem:s25+$0x120]  }
0xfa: {  	v5 =	vmax.f32 v7, v5;
	v6 =	vld [tilespmem:s25+$0x1A0]  }
0xfb: {  	[tilespmem:s22+$0xFFFFFF90] =	vst v5;
	v5 =	vld [tilespmem:s25+$0x90]  }
0xfc: {  	v7 =	vld [tilespmem:s25+$0xFFFFFF20]  }
0xfd: {  	v2 =	vmax.f32 v2, v4;
	v4 =	vld [tilespmem:s25+$0xFFFFFFA0]  }
0xfe: {  	[tilespmem:s22+$0xFFFFFF10] =	vst v2;
	v2 =	vld [tilespmem:s21+$0xF0];
	s21 =	smov.u32 s25  }
0xff: {  	v8 =	vld [tilespmem:s25+$0xFFFFFE20];
	v3 =	vmax.f32 v3, v6  }
0x100: {  	v6 =	vld [tilespmem:s25+$0xFFFFFEA0];
	v0 =	vmax.f32 v0, v5;
	[tilespmem:s22+$0xA0] =	vst v3  }
0x101: {  	[tilespmem:s22+$0x10] =	vst v0;
	v0 =	vld [tilespmem:s25+$0x130]  }
0x102: {  	v3 =	vmax.f32 v7, v4;
	v4 =	vld [tilespmem:s25+$0x1B0]  }
0x103: {  	[tilespmem:s22+$0xFFFFFFA0] =	vst v3;
	v3 =	vld [tilespmem:s25+$0x20];
	v1 =	vmax.f32 v1, v2  }
0x104: {  	v2 =	vld [tilespmem:s25+$0xA0];
	[tilespmem:s23+$0x70] =	vst v1;
	s23 =	smov.u32 s22  }
0x105: {  	v1 =	vmax.f32 v8, v6;
	v5 =	vld [tilespmem:s25+$0xFFFFFF30]  }
0x106: {  	[tilespmem:s22+$0xFFFFFF20] =	vst v1;
	v1 =	vld [tilespmem:s25+$0xFFFFFFB0]  }
0x107: {  	v6 =	vld [tilespmem:s25+$0xFFFFFE30];
	v0 =	vmax.f32 v0, v4  }
0x108: {  	v4 =	vld [tilespmem:s25+$0xFFFFFEB0];
	[tilespmem:s22+$0xB0] =	vst v0  }
0x109: {  	v0 =	vmax.f32 v3, v2;
	v2 =	vld [tilespmem:s25+$0x140]  }
0x10a: {  	[tilespmem:s22+$0x20] =	vst v0;
	v0 =	vld [tilespmem:s25+$0x1C0]  }
0x10b: {  	v1 =	vmax.f32 v5, v1;
	v3 =	vld [tilespmem:s25+$0x30]  }
0x10c: {  	[tilespmem:s22+$0xFFFFFFB0] =	vst v1;
	v1 =	vld [tilespmem:s25+$0xB0]  }
0x10d: {  	v4 =	vmax.f32 v6, v4;
	v5 =	vld [tilespmem:s25+$0xFFFFFF40]  }
0x10e: {  	[tilespmem:s22+$0xFFFFFF30] =	vst v4;
	v4 =	vld [tilespmem:s25+$0xFFFFFFC0]  }
0x10f: {  	v6 =	vld [tilespmem:s25+$0xFFFFFE40];
	v0 =	vmax.f32 v2, v0  }
0x110: {  	v2 =	vld [tilespmem:s25+$0xFFFFFEC0];
	[tilespmem:s22+$0xC0] =	vst v0  }
0x111: {  	v0 =	vmax.f32 v3, v1;
	v1 =	vld [tilespmem:s25+$0x150]  }
0x112: {  	[tilespmem:s22+$0x30] =	vst v0;
	v0 =	vld [tilespmem:s25+$0x1D0]  }
0x113: {  	v3 =	vmax.f32 v5, v4;
	v4 =	vld [tilespmem:s25+$0x40]  }
0x114: {  	[tilespmem:s22+$0xFFFFFFC0] =	vst v3;
	v3 =	vld [tilespmem:s25+$0xC0]  }
0x115: {  	v2 =	vmax.f32 v6, v2;
	v5 =	vld [tilespmem:s25+$0xFFFFFF50]  }
0x116: {  	[tilespmem:s22+$0xFFFFFF40] =	vst v2;
	v2 =	vld [tilespmem:s25+$0xFFFFFFD0]  }
0x117: {  	v6 =	vld [tilespmem:s25+$0xFFFFFE50];
	v0 =	vmax.f32 v1, v0  }
0x118: {  	v1 =	vld [tilespmem:s25+$0xFFFFFED0];
	[tilespmem:s22+$0xD0] =	vst v0  }
0x119: {  	v0 =	vmax.f32 v4, v3;
	v3 =	vld [tilespmem:s25+$0x160]  }
0x11a: {  	[tilespmem:s22+$0x40] =	vst v0;
	v0 =	vld [tilespmem:s25+$0x1E0]  }
0x11b: {  	v2 =	vmax.f32 v5, v2;
	v4 =	vld [tilespmem:s25+$0x50]  }
0x11c: {  	[tilespmem:s22+$0xFFFFFFD0] =	vst v2;
	v2 =	vld [tilespmem:s25+$0xD0]  }
0x11d: {  	v1 =	vmax.f32 v6, v1;
	v5 =	vld [tilespmem:s25+$0xFFFFFF60]  }
0x11e: {  	[tilespmem:s22+$0xFFFFFF50] =	vst v1;
	v1 =	vld [tilespmem:s25+$0xFFFFFFE0]  }
0x11f: {  	v6 =	vld [tilespmem:s25+$0xFFFFFE60];
	v0 =	vmax.f32 v3, v0  }
0x120: {  	v7 =	vld [tilespmem:s25+$0xFFFFFEE0];
	[tilespmem:s22+$0xE0] =	vst v0  }
0x121: {  	v0 =	vmax.f32 v4, v2;
	v8 =	vld [tilespmem:s25+$0x170]  }
0x122: {  	[tilespmem:s22+$0x50] =	vst v0;
	v9 =	vld [tilespmem:s25+$0x1F0]  }
0x123: {  	v1 =	vmax.f32 v5, v1;
	v0 =	vld [tilespmem:s25+$0x60]  }
.Ltmp1:
0x124: {  	[tilespmem:s22+$0xFFFFFFE0] =	vst v1;
	v3 =	vld [tilespmem:s25+$0xE0];
	(pc) =	sbr.rel @p0 .LBB2_5-.Ltmp1, $4  }
0x125: {  	v2 =	vmax.f32 v6, v7;
	v1 =	vld [tilespmem:s25+$0xFFFFFF70]  }
0x126: {  	[tilespmem:s22+$0xFFFFFF60] =	vst v2;
	v4 =	vld [tilespmem:s25+$0xFFFFFFF0]  }
0x127: {  	v2 =	vld [tilespmem:s25+$0xFFFFFE70];
	v6 =	vmax.f32 v8, v9  }
0x128: {  	s25 =	sadd.s32 $0x400, s25;
	v5 =	vld [tilespmem:s21+$0xFFFFFEF0];
	[tilespmem:s22+$0xF0] =	vst v6  }
0x129: {  	v0 =	vmax.f32 v0, v3  }
0x12a: {  	[tilespmem:s22+$0x60] =	vst v0  }
0x12b: {  	v0 =	vld [tilespmem:s21+$0x70]  }
0x12c: {  	v62 =	vld [tilespmem:s21+$0xF0]  }
0x12d: {  	s19 =	sadd.s32 $0x1, s19  }
0x12e: {  	p0 =	sne.s32 s19, $0x3  }
.Ltmp2:
0x12f: {  	v1 =	vmax.f32 v1, v4;
	(pc) =	sbr.rel @p0 .LBB2_2-.Ltmp2, $4  }
0x130: {  	[tilespmem:s22+$0xFFFFFFF0] =	vst v1;
	v63 =	vmax.f32 v2, v5  }
0x131: {  	s20 =	sshll.u32 s20, $0x4;
	[tilespmem:s22+$0xFFFFFF70] =	vst v63;
	v0 =	vmax.f32 v0, v62  }
0x132: {  	s20 =	sadd.s32 s4, s20;
	[tilespmem:s23+$0x70] =	vst v0  }
0x133: {  	[hbm4b:s20+s3] =	stream.linear.scatter [tilespmem:s15], [sflag:$0x4], $0x3800, $0x38;
	[tilespmem:$0x15000] =	vst v63  }
0x134: {  	_ =	swait.ge [sflag:s12], $0x7000  }
0x135: {  	[sflag:s12] =	ssyncset.done $0x0  }
0x136: {  	[sflag:s12] =	ssyncadd.s32 $0xFFFF9000  }
0x137: {  	_ =	swait.ge [sflag:s16], $0x3800  }
0x138: {  	[sflag:s16] =	ssyncset.done $0x0  }
0x139: {  	s19 =	simm.s32 $0x200;
	[sflag:s16] =	ssyncadd.s32 $0xFFFFC800  }
0x13a: {  	v0 =	vld [tilespmem:s19+$0x100]  }
0x13b: {  	v1 =	vld [tilespmem:s19+$0x180];
	_ =	sdelay $0x2  }
0x13c: {  	v2 =	vld [tilespmem:s19+$0xFFFFFF00]  }
0x13d: {  	v3 =	vld [tilespmem:s19+$0xFFFFFF80]  }
0x13e: {  	s20 =	simm.s32 $0xE100;
	v4 =	vld [tilespmem:s19+$0xFFFFFE80];
	v0 =	vmax.f32 v0, v1  }
0x13f: {  	v1 =	vld [tilespmem:s19+$0xFFFFFE00];
	[tilespmem:s20+$0x80] =	vst v0  }
0x140: {  	v0 =	vld [tilespmem:s19+$0x110]  }
0x141: {  	v5 =	vld [tilespmem:s19+$0x190]  }
0x142: {  	v6 =	vld [tilespmem:s19+$0x0];
	v2 =	vmax.f32 v2, v3  }
0x143: {  	v3 =	vld [tilespmem:s19+$0x80];
	[tilespmem:s20+$0xFFFFFF80] =	vst v2  }
0x144: {  	v2 =	vld [tilespmem:s19+$0xFFFFFF10];
	v1 =	vmax.f32 v1, v4  }
0x145: {  	v4 =	vld [tilespmem:s19+$0xFFFFFF90];
	[tilespmem:s20+$0xFFFFFF00] =	vst v1  }
0x146: {  	v1 =	vld [tilespmem:s19+$0xFFFFFE10];
	v0 =	vmax.f32 v0, v5  }
0x147: {  	v5 =	vld [tilespmem:s19+$0xFFFFFE90];
	[tilespmem:s20+$0x90] =	vst v0  }
0x148: {  	v0 =	vmax.f32 v6, v3;
	v3 =	vld [tilespmem:s19+$0x120]  }
0x149: {  	[tilespmem:s20+$0x0] =	vst v0;
	v0 =	vld [tilespmem:s19+$0x1A0]  }
0x14a: {  	v6 =	vld [tilespmem:s19+$0x10];
	v2 =	vmax.f32 v2, v4  }
0x14b: {  	[tilespmem:s20+$0xFFFFFF90] =	vst v2;
	v2 =	vld [tilespmem:s19+$0x90]  }
0x14c: {  	v4 =	vld [tilespmem:s19+$0xFFFFFF20];
	v1 =	vmax.f32 v1, v5  }
0x14d: {  	v5 =	vld [tilespmem:s19+$0xFFFFFFA0];
	[tilespmem:s20+$0xFFFFFF10] =	vst v1  }
0x14e: {  	v1 =	vld [tilespmem:s19+$0xFFFFFE20];
	v0 =	vmax.f32 v3, v0  }
0x14f: {  	v3 =	vld [tilespmem:s19+$0xFFFFFEA0];
	[tilespmem:s20+$0xA0] =	vst v0  }
0x150: {  	v0 =	vmax.f32 v6, v2;
	v2 =	vld [tilespmem:s19+$0x130]  }
0x151: {  	[tilespmem:s20+$0x10] =	vst v0;
	v0 =	vld [tilespmem:s19+$0x1B0]  }
0x152: {  	v4 =	vmax.f32 v4, v5;
	v5 =	vld [tilespmem:s19+$0x20]  }
0x153: {  	[tilespmem:s20+$0xFFFFFFA0] =	vst v4;
	v4 =	vld [tilespmem:s19+$0xA0]  }
0x154: {  	v1 =	vmax.f32 v1, v3;
	v3 =	vld [tilespmem:s19+$0xFFFFFF30]  }
0x155: {  	[tilespmem:s20+$0xFFFFFF20] =	vst v1;
	v1 =	vld [tilespmem:s19+$0xFFFFFFB0]  }
0x156: {  	v6 =	vld [tilespmem:s19+$0xFFFFFE30];
	v0 =	vmax.f32 v2, v0  }
0x157: {  	v2 =	vld [tilespmem:s19+$0xFFFFFEB0];
	[tilespmem:s20+$0xB0] =	vst v0  }
0x158: {  	v0 =	vmax.f32 v5, v4;
	v4 =	vld [tilespmem:s19+$0x140]  }
0x159: {  	[tilespmem:s20+$0x20] =	vst v0;
	v0 =	vld [tilespmem:s19+$0x1C0]  }
0x15a: {  	v1 =	vmax.f32 v3, v1;
	v3 =	vld [tilespmem:s19+$0x30]  }
0x15b: {  	[tilespmem:s20+$0xFFFFFFB0] =	vst v1;
	v1 =	vld [tilespmem:s19+$0xB0]  }
0x15c: {  	v2 =	vmax.f32 v6, v2;
	v5 =	vld [tilespmem:s19+$0xFFFFFF40]  }
0x15d: {  	[tilespmem:s20+$0xFFFFFF30] =	vst v2;
	v2 =	vld [tilespmem:s19+$0xFFFFFFC0]  }
0x15e: {  	v6 =	vld [tilespmem:s19+$0xFFFFFE40];
	v0 =	vmax.f32 v4, v0  }
0x15f: {  	v4 =	vld [tilespmem:s19+$0xFFFFFEC0];
	[tilespmem:s20+$0xC0] =	vst v0  }
0x160: {  	v0 =	vmax.f32 v3, v1;
	v1 =	vld [tilespmem:s19+$0x150]  }
0x161: {  	[tilespmem:s20+$0x30] =	vst v0;
	v0 =	vld [tilespmem:s19+$0x1D0]  }
0x162: {  	v2 =	vmax.f32 v5, v2;
	v3 =	vld [tilespmem:s19+$0x40]  }
0x163: {  	[tilespmem:s20+$0xFFFFFFC0] =	vst v2;
	v2 =	vld [tilespmem:s19+$0xC0]  }
0x164: {  	v4 =	vmax.f32 v6, v4;
	v5 =	vld [tilespmem:s19+$0xFFFFFF50]  }
0x165: {  	[tilespmem:s20+$0xFFFFFF40] =	vst v4;
	v4 =	vld [tilespmem:s19+$0xFFFFFFD0]  }
0x166: {  	v6 =	vld [tilespmem:s19+$0xFFFFFE50];
	v0 =	vmax.f32 v1, v0  }
0x167: {  	v1 =	vld [tilespmem:s19+$0xFFFFFED0];
	[tilespmem:s20+$0xD0] =	vst v0  }
0x168: {  	v0 =	vmax.f32 v3, v2;
	v2 =	vld [tilespmem:s19+$0x160]  }
0x169: {  	[tilespmem:s20+$0x40] =	vst v0;
	v0 =	vld [tilespmem:s19+$0x1E0]  }
0x16a: {  	v3 =	vmax.f32 v5, v4;
	v4 =	vld [tilespmem:s19+$0x50]  }
0x16b: {  	[tilespmem:s20+$0xFFFFFFD0] =	vst v3;
	v3 =	vld [tilespmem:s19+$0xD0]  }
0x16c: {  	v1 =	vmax.f32 v6, v1;
	v5 =	vld [tilespmem:s19+$0xFFFFFF60]  }
0x16d: {  	[tilespmem:s20+$0xFFFFFF50] =	vst v1;
	v1 =	vld [tilespmem:s19+$0xFFFFFFE0]  }
0x16e: {  	v6 =	vld [tilespmem:s19+$0xFFFFFE60];
	v0 =	vmax.f32 v2, v0  }
0x16f: {  	v2 =	vld [tilespmem:s19+$0xFFFFFEE0];
	[tilespmem:s20+$0xE0] =	vst v0  }
0x170: {  	v0 =	vmax.f32 v4, v3;
	v7 =	vld [tilespmem:s19+$0x170]  }
0x171: {  	[tilespmem:s20+$0x50] =	vst v0;
	v8 =	vld [tilespmem:s19+$0x1F0]  }
0x172: {  	v1 =	vmax.f32 v5, v1;
	v0 =	vld [tilespmem:s19+$0x60]  }
0x173: {  	v3 =	vld [tilespmem:s19+$0xE0];
	[tilespmem:s20+$0xFFFFFFE0] =	vst v1  }
0x174: {  	v2 =	vmax.f32 v6, v2;
	v1 =	vld [tilespmem:s19+$0xFFFFFF70]  }
0x175: {  	v4 =	vld [tilespmem:s19+$0xFFFFFFF0];
	[tilespmem:s20+$0xFFFFFF60] =	vst v2  }
0x176: {  	v2 =	vld [tilespmem:s19+$0xFFFFFE70];
	v6 =	vmax.f32 v7, v8  }
0x177: {  	s22 =	simm.s32 $0x0;
	s23 =	simm.s32 $0x600;
	s21 =	simm.s32 $0xE100;
	v5 =	vld [tilespmem:s19+$0xFFFFFEF0];
	[tilespmem:s20+$0xF0] =	vst v6  }
.LBB2_8:
0x178: {  	v6 =	vld [tilespmem:s23+$0x100];
	v0 =	vmax.f32 v0, v3  }
0x179: {  	v3 =	vld [tilespmem:s23+$0x180];
	[tilespmem:s20+$0x60] =	vst v0  }
0x17a: {  	v0 =	vld [tilespmem:s23+$0xFFFFFE80];
	v1 =	vmax.f32 v1, v4  }
0x17b: {  	v4 =	vld [tilespmem:s23+$0xFFFFFF00];
	[tilespmem:s20+$0xFFFFFFF0] =	vst v1  }
0x17c: {  	v1 =	vld [tilespmem:s23+$0xFFFFFF80];
	v2 =	vmax.f32 v2, v5  }
0x17d: {  	v5 =	vld [tilespmem:s23+$0x0];
	[tilespmem:s20+$0xFFFFFF70] =	vst v2  }
0x17e: {  	s20 =	sadd.s32 $0x200, s20;
	v2 =	vld [tilespmem:s23+$0x80];
	v3 =	vmax.f32 v6, v3  }
0x17f: {  	v6 =	vld [tilespmem:s23+$0xFFFFFE00];
	[tilespmem:s20+$0x80] =	vst v3  }
0x180: {  	s22 =	sadd.s32 $0x4, s22;
	v3 =	vld [tilespmem:s23+$0x110]  }
0x181: {  	p0 =	slt.u32 s22, $0x6C;
	v1 =	vmax.f32 v4, v1;
	v4 =	vld [tilespmem:s23+$0x190]  }
0x182: {  	[tilespmem:s20+$0xFFFFFF80] =	vst v1;
	v1 =	vld [tilespmem:s19+$0x70]  }
0x183: {  	v7 =	vld [tilespmem:s23+$0xFFFFFF10];
	v2 =	vmax.f32 v5, v2  }
0x184: {  	v0 =	vmax.f32 v6, v0;
	v5 =	vld [tilespmem:s23+$0xFFFFFF90];
	[tilespmem:s20+$0x0] =	vst v2  }
0x185: {  	[tilespmem:s20+$0xFFFFFF00] =	vst v0;
	v0 =	vld [tilespmem:s23+$0x10]  }
0x186: {  	v2 =	vld [tilespmem:s23+$0xFFFFFE10];
	v3 =	vmax.f32 v3, v4  }
0x187: {  	v4 =	vld [tilespmem:s23+$0xFFFFFE90];
	[tilespmem:s20+$0x90] =	vst v3  }
0x188: {  	v3 =	vld [tilespmem:s23+$0x120]  }
0x189: {  	v5 =	vmax.f32 v7, v5;
	v6 =	vld [tilespmem:s23+$0x1A0]  }
0x18a: {  	[tilespmem:s20+$0xFFFFFF90] =	vst v5;
	v5 =	vld [tilespmem:s23+$0x90]  }
0x18b: {  	v7 =	vld [tilespmem:s23+$0xFFFFFF20]  }
0x18c: {  	v2 =	vmax.f32 v2, v4;
	v4 =	vld [tilespmem:s23+$0xFFFFFFA0]  }
0x18d: {  	[tilespmem:s20+$0xFFFFFF10] =	vst v2;
	v2 =	vld [tilespmem:s19+$0xF0];
	s19 =	smov.u32 s23  }
0x18e: {  	v8 =	vld [tilespmem:s23+$0xFFFFFE20];
	v3 =	vmax.f32 v3, v6  }
0x18f: {  	v6 =	vld [tilespmem:s23+$0xFFFFFEA0];
	v0 =	vmax.f32 v0, v5;
	[tilespmem:s20+$0xA0] =	vst v3  }
0x190: {  	[tilespmem:s20+$0x10] =	vst v0;
	v0 =	vld [tilespmem:s23+$0x130]  }
0x191: {  	v3 =	vmax.f32 v7, v4;
	v4 =	vld [tilespmem:s23+$0x1B0]  }
0x192: {  	[tilespmem:s20+$0xFFFFFFA0] =	vst v3;
	v3 =	vld [tilespmem:s23+$0x20];
	v1 =	vmax.f32 v1, v2  }
0x193: {  	v2 =	vld [tilespmem:s23+$0xA0];
	[tilespmem:s21+$0x70] =	vst v1;
	s21 =	smov.u32 s20  }
0x194: {  	v1 =	vmax.f32 v8, v6;
	v5 =	vld [tilespmem:s23+$0xFFFFFF30]  }
0x195: {  	[tilespmem:s20+$0xFFFFFF20] =	vst v1;
	v1 =	vld [tilespmem:s23+$0xFFFFFFB0]  }
0x196: {  	v6 =	vld [tilespmem:s23+$0xFFFFFE30];
	v0 =	vmax.f32 v0, v4  }
0x197: {  	v4 =	vld [tilespmem:s23+$0xFFFFFEB0];
	[tilespmem:s20+$0xB0] =	vst v0  }
0x198: {  	v0 =	vmax.f32 v3, v2;
	v2 =	vld [tilespmem:s23+$0x140]  }
0x199: {  	[tilespmem:s20+$0x20] =	vst v0;
	v0 =	vld [tilespmem:s23+$0x1C0]  }
0x19a: {  	v1 =	vmax.f32 v5, v1;
	v3 =	vld [tilespmem:s23+$0x30]  }
0x19b: {  	[tilespmem:s20+$0xFFFFFFB0] =	vst v1;
	v1 =	vld [tilespmem:s23+$0xB0]  }
0x19c: {  	v4 =	vmax.f32 v6, v4;
	v5 =	vld [tilespmem:s23+$0xFFFFFF40]  }
0x19d: {  	[tilespmem:s20+$0xFFFFFF30] =	vst v4;
	v4 =	vld [tilespmem:s23+$0xFFFFFFC0]  }
0x19e: {  	v6 =	vld [tilespmem:s23+$0xFFFFFE40];
	v0 =	vmax.f32 v2, v0  }
0x19f: {  	v2 =	vld [tilespmem:s23+$0xFFFFFEC0];
	[tilespmem:s20+$0xC0] =	vst v0  }
0x1a0: {  	v0 =	vmax.f32 v3, v1;
	v1 =	vld [tilespmem:s23+$0x150]  }
0x1a1: {  	[tilespmem:s20+$0x30] =	vst v0;
	v0 =	vld [tilespmem:s23+$0x1D0]  }
0x1a2: {  	v3 =	vmax.f32 v5, v4;
	v4 =	vld [tilespmem:s23+$0x40]  }
0x1a3: {  	[tilespmem:s20+$0xFFFFFFC0] =	vst v3;
	v3 =	vld [tilespmem:s23+$0xC0]  }
0x1a4: {  	v2 =	vmax.f32 v6, v2;
	v5 =	vld [tilespmem:s23+$0xFFFFFF50]  }
0x1a5: {  	[tilespmem:s20+$0xFFFFFF40] =	vst v2;
	v2 =	vld [tilespmem:s23+$0xFFFFFFD0]  }
0x1a6: {  	v6 =	vld [tilespmem:s23+$0xFFFFFE50];
	v0 =	vmax.f32 v1, v0  }
0x1a7: {  	v1 =	vld [tilespmem:s23+$0xFFFFFED0];
	[tilespmem:s20+$0xD0] =	vst v0  }
0x1a8: {  	v0 =	vmax.f32 v4, v3;
	v3 =	vld [tilespmem:s23+$0x160]  }
0x1a9: {  	[tilespmem:s20+$0x40] =	vst v0;
	v0 =	vld [tilespmem:s23+$0x1E0]  }
0x1aa: {  	v2 =	vmax.f32 v5, v2;
	v4 =	vld [tilespmem:s23+$0x50]  }
0x1ab: {  	[tilespmem:s20+$0xFFFFFFD0] =	vst v2;
	v2 =	vld [tilespmem:s23+$0xD0]  }
0x1ac: {  	v1 =	vmax.f32 v6, v1;
	v5 =	vld [tilespmem:s23+$0xFFFFFF60]  }
0x1ad: {  	[tilespmem:s20+$0xFFFFFF50] =	vst v1;
	v1 =	vld [tilespmem:s23+$0xFFFFFFE0]  }
0x1ae: {  	v6 =	vld [tilespmem:s23+$0xFFFFFE60];
	v0 =	vmax.f32 v3, v0  }
0x1af: {  	v7 =	vld [tilespmem:s23+$0xFFFFFEE0];
	[tilespmem:s20+$0xE0] =	vst v0  }
0x1b0: {  	v0 =	vmax.f32 v4, v2;
	v8 =	vld [tilespmem:s23+$0x170]  }
0x1b1: {  	[tilespmem:s20+$0x50] =	vst v0;
	v9 =	vld [tilespmem:s23+$0x1F0]  }
0x1b2: {  	v1 =	vmax.f32 v5, v1;
	v0 =	vld [tilespmem:s23+$0x60]  }
.Ltmp3:
0x1b3: {  	[tilespmem:s20+$0xFFFFFFE0] =	vst v1;
	v3 =	vld [tilespmem:s23+$0xE0];
	(pc) =	sbr.rel @p0 .LBB2_8-.Ltmp3, $4  }
0x1b4: {  	v2 =	vmax.f32 v6, v7;
	v1 =	vld [tilespmem:s23+$0xFFFFFF70]  }
0x1b5: {  	[tilespmem:s20+$0xFFFFFF60] =	vst v2;
	v4 =	vld [tilespmem:s23+$0xFFFFFFF0]  }
0x1b6: {  	v2 =	vld [tilespmem:s23+$0xFFFFFE70];
	v6 =	vmax.f32 v8, v9  }
0x1b7: {  	s23 =	sadd.s32 $0x400, s23;
	v5 =	vld [tilespmem:s19+$0xFFFFFEF0];
	[tilespmem:s20+$0xF0] =	vst v6  }
0x1b8: {  	v0 =	vmax.f32 v0, v3  }
0x1b9: {  	[tilespmem:s20+$0x60] =	vst v0  }
0x1ba: {  	v0 =	vld [tilespmem:s19+$0x70]  }
0x1bb: {  	v62 =	vld [tilespmem:s19+$0xF0];
	_ =	sdelay $0x2  }
0x1bc: {  	v1 =	vmax.f32 v1, v4  }
0x1bd: {  	[tilespmem:s20+$0xFFFFFFF0] =	vst v1;
	v63 =	vmax.f32 v2, v5  }
0x1be: {  	[tilespmem:s20+$0xFFFFFF70] =	vst v63;
	v0 =	vmax.f32 v0, v62  }
0x1bf: {  	s18 =	sadd.s32 $0x1, s18;
	[tilespmem:s21+$0x70] =	vst v0  }
0x1c0: {  	[hbm4b:s8+s3] =	stream.linear.scatter [tilespmem:s13], [sflag:$0x3], $0x3800, $0x38;
	[tilespmem:$0x15000] =	vst v63  }
0x1c1: {  	p0 =	sne.s32 s18, s9;
	_ =	swait.ge [sflag:s16], $0x3800  }
.Ltmp4:
0x1c2: {  	[sflag:s16] =	ssyncset.done $0x0;
	(pc) =	sbr.rel @p0 .LBB2_1-.Ltmp4, $4  }
0x1c3: {  	[sflag:s16] =	ssyncadd.s32 $0xFFFFC800  }
0x1c4: {  	_ =	swait.ge [sflag:s17], $0x3800  }
0x1c5: {  	[sflag:s17] =	ssyncset.done $0x0  }
0x1c6: {  	[sflag:s17] =	ssyncadd.s32 $0xFFFFC800  }
0x1c7: {  	_ =	sfence.sel $0x180000  }
0x1c8: {  	[bflag:$0x0] =	sbarrier.arrive $0xFFFF  }
0x1c9: {  	p0 =	sne.s32 s1, $0x0;
	_ =	strace $0x90000047  }
0x1ca: {  	s0 =	sadd.s32 @!p0 $0x100000, s0;
	[bflag:$0x2] =	sbarrier.arrive $0xFFFF  }
0x1cb: {  	[sflag:s0] =	ssyncadd.tile.s32 @!p0 $0x1;
	_ =	shalt  }
.Lfunc_end2:
_tile_overlayer_lowered:
.L_overlay_start_2:
0x1cc: {  	(tag) =	ssettag $0x2  }
0x1cd: {  	s0 =	rddreg [dreg:$0x0];
	s2 =	stileid.u32  }
0x1ce: {  	s1 =	rddreg [dreg:$0x1];
	p0 =	sne.s32 s2, $0x0  }
0x1cf: {  	s3 =	rddreg [dreg:$0x2];
	[bflag:$0x3] =	sbarrier.arrive $0xFFFF;
	s2 =	simm.s32 @!p0 $0x1C05  }
0x1d0: {  	[timem:s3], [sflag:s2] =	dma.local @!p0 [hbm:s0], s1  }
0x1d1: {  	s0 =	simm.s32 @!p0 $0x5  }
0x1d2: {  	_ =	swait.ge @!p0 [sflag:s0], s1  }
0x1d3: {  	s1 =	ssub.s32 @!p0 $0x0, s1;
	[sflag:s0] =	ssyncset.done @!p0 $0x0  }
0x1d4: {  	[sflag:s0] =	ssyncadd.s32 @!p0 s1  }
0x1d5: {  	[bflag:$0x3] =	sbarrier.arrive $0xFFFF  }
0x1d6: {  	_ =	shalt  }

</sc_bundles>
